<compile_context>
chip_gen: v7x
topology: tpu7x:2x2x1
jax: 0.10.2.dev20260603
libtpu: 0.0.44.dev20260713+nightly
codegen_flags: <defaults>
</compile_context>

<pallas_src>
import functools

import jax
import jax.numpy as jnp
from jax import lax
from jax.experimental import pallas as pl
from jax.experimental.pallas import tpu as pltpu
from jax.experimental.pallas import tpu_sc as plsc

_KTOP = 8


_UNROLL = 2


def _topk_body(emb_ref, nv3_ref, idx_ref, flat_ref):
    m = emb_ref.shape[0]
    n = nv3_ref.shape[2]
    e = emb_ref[...]
    colf = lax.broadcasted_iota(jnp.int32, (m, n), 1).astype(jnp.float32)
    kcol = lax.broadcasted_iota(jnp.int32, (m, _KTOP), 1)
    liota = lax.broadcasted_iota(jnp.int32, (m, m * _KTOP), 1)
    riota = lax.broadcasted_iota(jnp.int32, (m, m * _KTOP), 0)
    for j in range(_UNROLL):
        x = nv3_ref[0, j]
        logits = lax.dot_general(
            e, x, (((1,), (1,)), ((), ())), preferred_element_type=jnp.float32
        )
        idxf_all = jnp.zeros((m, _KTOP), jnp.float32)
        cur = logits
        for k in range(_KTOP):
            mx = jnp.max(cur, axis=1, keepdims=True)
            idxf = jnp.min(
                jnp.where(cur == mx, colf, float(n)), axis=1, keepdims=True
            )
            idxf_all = jnp.where(kcol == k, idxf, idxf_all)
            cur = jnp.where(colf == idxf, -jnp.inf, cur)
        idx_all = idxf_all.astype(jnp.int32)
        idx_ref[j] = idx_all
        tiled = pltpu.repeat(idx_all, m, axis=1)
        picked = jnp.where(lax.shift_right_logical(liota, 3) == riota, tiled, 0)
        flat_row = jnp.sum(picked, axis=0, keepdims=True)
        flat_ref[j] = flat_row + (_UNROLL * pl.program_id(0) + j) * n


def _topk_indices(emb, nv3):
    b, t, n, e_dim = nv3.shape
    bt = b * t
    m = emb.shape[0]
    u = _UNROLL
    tb = t // u
    return pl.pallas_call(
        _topk_body,
        grid=(bt // u,),
        in_specs=[
            pl.BlockSpec((m, e_dim), lambda i: (0, 0)),
            pl.BlockSpec((1, u, n, e_dim), lambda i: (i // tb, i % tb, 0, 0)),
        ],
        out_specs=[
            pl.BlockSpec((u, m, _KTOP), lambda i: (i, 0, 0)),
            pl.BlockSpec((u, 1, m * _KTOP), lambda i: (i, 0, 0)),
        ],
        out_shape=[
            jax.ShapeDtypeStruct((bt, m, _KTOP), jnp.int32),
            jax.ShapeDtypeStruct((bt, 1, m * _KTOP), jnp.int32),
        ],
    )(emb, nv3)


def _sc_gather(t1, t2, idx3):
    nw, nch, ch = idx3.shape
    d = t1.shape[1]
    r_per = nch * ch
    info = plsc.get_sparse_core_info()
    nc = info.num_cores
    mesh = plsc.VectorSubcoreMesh(core_axis_name="c", subcore_axis_name="s")

    @functools.partial(
        pl.kernel,
        out_type=(
            jax.ShapeDtypeStruct((nw * r_per, d), jnp.float32),
            jax.ShapeDtypeStruct((nw * r_per, d), jnp.float32),
        ),
        mesh=mesh,
        scratch_types=[
            pltpu.VMEM((nch, ch), jnp.int32),
            pltpu.VMEM((ch, d), jnp.float32),
            pltpu.VMEM((ch, d), jnp.float32),
            pltpu.VMEM((ch, d), jnp.float32),
            pltpu.VMEM((ch, d), jnp.float32),
            pltpu.SemaphoreType.DMA,
            pltpu.SemaphoreType.DMA,
        ],
        compiler_params=pltpu.CompilerParams(use_tc_tiling_on_sc=False),
    )
    def gather_k(t1_hbm, t2_hbm, idx_hbm, out1_hbm, out2_hbm,
                 idx_v, buf1a, buf2a, buf1b, buf2b, sema, semb):
        wid = lax.axis_index("s") * nc + lax.axis_index("c")
        pltpu.sync_copy(idx_hbm.at[wid], idx_v)
        base = wid * r_per

        def body(j2, carry):
            ja = 2 * j2
            jb = 2 * j2 + 1
            cp1a = pltpu.async_copy(t1_hbm.at[idx_v.at[ja]], buf1a, sema)
            cp2a = pltpu.async_copy(t2_hbm.at[idx_v.at[ja]], buf2a, sema)
            cp1b = pltpu.async_copy(t1_hbm.at[idx_v.at[jb]], buf1b, semb)
            cp2b = pltpu.async_copy(t2_hbm.at[idx_v.at[jb]], buf2b, semb)
            cp1a.wait()
            cp2a.wait()
            pltpu.sync_copy(buf1a, out1_hbm.at[pl.ds(base + ja * ch, ch)])
            pltpu.sync_copy(buf2a, out2_hbm.at[pl.ds(base + ja * ch, ch)])
            cp1b.wait()
            cp2b.wait()
            pltpu.sync_copy(buf1b, out1_hbm.at[pl.ds(base + jb * ch, ch)])
            pltpu.sync_copy(buf2b, out2_hbm.at[pl.ds(base + jb * ch, ch)])
            return carry

        lax.fori_loop(0, nch // 2, body, 0)

    return gather_k(t1, t2, idx3)


def kernel(nodevec1, nodevec2, nodevec3, node_embeddings):
    b, t, n, d = nodevec1.shape
    m, e2 = node_embeddings.shape
    bt = b * t
    idx, flat = _topk_indices(node_embeddings, nodevec3)
    indices = idx.reshape(b, t, m, _KTOP)

    info = plsc.get_sparse_core_info()
    nw = info.num_cores * info.num_subcores
    total = bt * m * _KTOP
    ch = 128
    nch = total // (nw * ch)
    idx3 = flat.reshape(nw, nch, ch)
    out1, out2 = _sc_gather(
        nodevec1.reshape(bt * n, d), nodevec2.reshape(bt * n, d), idx3
    )
    sel1 = out1.reshape(b, t, m, _KTOP, d)
    sel2 = out2.reshape(b, t, m, _KTOP, d)

    batch_indices = jnp.broadcast_to(
        jnp.arange(b, dtype=jnp.int32).reshape(b, 1, 1, 1), (b, t, m, _KTOP)
    )
    time_indices = jnp.broadcast_to(
        jnp.arange(t, dtype=jnp.int32).reshape(1, t, 1, 1), (b, t, m, _KTOP)
    )
    return sel1, sel2, batch_indices, time_indices, indices

# --- scband reference (transcript-rebuilt; emitter-appended) ---
"""Pipeline reference for scband-nodeselection-60163901883080 (READ-ONLY COPY).

The authoritative reference and input builder live on the scoring server;
editing this copy changes nothing except your own understanding.
"""

import jax, jax.numpy as jnp
import numpy as np

K = 8
MEMORY_NUM = 64
TIME_DIM = 16

def setup_inputs(seed: int = 0) -> dict:
    key = jax.random.key(seed)
    k1, k2, k3, k4 = jax.random.split(key, 4)
    B, T, N, D = 16, 12, 2048, 64
    nodevec1 = jax.random.normal(k1, (B, T, N, D), dtype=jnp.float32)
    nodevec2 = jax.random.normal(k2, (B, T, N, D), dtype=jnp.float32)
    nodevec3 = jax.random.normal(k3, (B, T, N, 2 * TIME_DIM), dtype=jnp.float32)
    node_embeddings = jax.random.normal(k4, (MEMORY_NUM, 2 * TIME_DIM), dtype=jnp.float32)
    return {"nodevec1": nodevec1, "nodevec2": nodevec2, "nodevec3": nodevec3, "node_embeddings": node_embeddings}

def reference(nodevec1, nodevec2, nodevec3, node_embeddings):
    B, T, N, D = nodevec1.shape
    M = node_embeddings.shape[0]
    # supports2 = softmax(node_embeddings @ nodevec3^T) over node dim -> [B, T, M, N]
    logits = jnp.matmul(node_embeddings, jnp.swapaxes(nodevec3, -2, -1))
    supports2 = jax.nn.softmax(logits, axis=-1)
    # topk over last dim (largest=True, sorted=True)
    values, indices = jax.lax.top_k(supports2, K)  # [B, T, M, K]
    batch_indices = jnp.broadcast_to(jnp.arange(B).reshape(B, 1, 1, 1), (B, T, M, K))
    time_indices = jnp.broadcast_to(jnp.arange(T).reshape(1, T, 1, 1), (B, T, M, K))
    selected_nodes_features1 = nodevec1[batch_indices, time_indices, indices]  # [B, T, M, K, D]
    selected_nodes_features2 = nodevec2[batch_indices, time_indices, indices]  # [B, T, M, K, D]
    return (selected_nodes_features1, selected_nodes_features2, batch_indices, time_indices, indices)

if __name__ == "__main__":
    import jax
    _d = setup_inputs()
    print(jax.jit(kernel)(*tuple(_d.values())))

</pallas_src>

<mosaic_0001>
#map = affine_map<(d0, d1) -> (0, 0)>
#map1 = affine_map<(d0, d1) -> (0, 0, 0)>
module attributes {stable_mosaic.version = 14 : i64} {
  func.func @gather_k(%arg0: i32, %arg1: i32, %arg2: memref<393216x64xf32, #tpu.memory_space<hbm>>, %arg3: memref<393216x64xf32, #tpu.memory_space<hbm>>, %arg4: memref<32x24x128xi32, #tpu.memory_space<hbm>>, %arg5: memref<98304x64xf32, #tpu.memory_space<hbm>>, %arg6: memref<98304x64xf32, #tpu.memory_space<hbm>>, %arg7: memref<24x128xi32, #tpu.memory_space<vmem>>, %arg8: memref<128x64xf32, #tpu.memory_space<vmem>>, %arg9: memref<128x64xf32, #tpu.memory_space<vmem>>, %arg10: memref<128x64xf32, #tpu.memory_space<vmem>>, %arg11: memref<128x64xf32, #tpu.memory_space<vmem>>, %arg12: memref<!tpu.dma_semaphore, #tpu.memory_space<semaphore_mem>>, %arg13: memref<!tpu.dma_semaphore, #tpu.memory_space<semaphore_mem>>) attributes {dimension_semantics = [#tpu.dimension_semantics<core_parallel>, #tpu.dimension_semantics<subcore_parallel>], iteration_bounds = array<i64: 2, 16>, scalar_prefetch = 0 : i64, scratch_operands = 7 : i64, tpu.core_type = #tpu.core_type<sc_vector_subcore>, window_params = [{transform_indices = #map}, {transform_indices = #map}, {transform_indices = #map1}, {transform_indices = #map}, {transform_indices = #map}]} {
    %mul3A = arith.constant 2 : i32
    %mul3A_0 = arith.muli %arg1, %mul3A : i32
    %add3A = arith.addi %mul3A_0, %arg0 : i32
    "tpu.region"() ({
      %run_scoped3A = tpu.sem_alloc : memref<!tpu.dma_semaphore, #tpu.memory_space<semaphore_mem>>
      %dma_start3A = arith.constant 0 : i32
      %dma_start3A_8 = arith.constant 0 : i32
      %dma_start3A_9 = tpu.memref_slice %arg4[%add3A, %dma_start3A, %dma_start3A_8] : memref<32x24x128xi32, #tpu.memory_space<hbm>> -> memref<1x24x128xi32, #tpu.memory_space<hbm>>
      %dma_start3A_10 = tpu.memref_squeeze %dma_start3A_9 : memref<1x24x128xi32, #tpu.memory_space<hbm>> -> memref<24x128xi32, #tpu.memory_space<hbm>>
      %dma_start3A_11 = arith.constant 0 : i32
      %dma_start3A_12 = arith.constant 0 : i32
      %dma_start3A_13 = tpu.memref_slice %arg4[%add3A, %dma_start3A_11, %dma_start3A_12] : memref<32x24x128xi32, #tpu.memory_space<hbm>> -> memref<1x24x128xi32, #tpu.memory_space<hbm>>
      %dma_start3A_14 = tpu.memref_squeeze %dma_start3A_13 : memref<1x24x128xi32, #tpu.memory_space<hbm>> -> memref<24x128xi32, #tpu.memory_space<hbm>>
      tpu.enqueue_dma source(%dma_start3A_14 : memref<24x128xi32, #tpu.memory_space<hbm>>) target(%arg7 : memref<24x128xi32, #tpu.memory_space<vmem>>) target_semaphore(%run_scoped3A : memref<!tpu.dma_semaphore, #tpu.memory_space<semaphore_mem>>)
      %dma_wait3A = arith.constant 0 : i32
      %dma_wait3A_15 = arith.constant 0 : i32
      %dma_wait3A_16 = tpu.memref_slice %arg4[%add3A, %dma_wait3A, %dma_wait3A_15] : memref<32x24x128xi32, #tpu.memory_space<hbm>> -> memref<1x24x128xi32, #tpu.memory_space<hbm>>
      %dma_wait3A_17 = tpu.memref_squeeze %dma_wait3A_16 : memref<1x24x128xi32, #tpu.memory_space<hbm>> -> memref<24x128xi32, #tpu.memory_space<hbm>>
      %dma_wait3A_18 = arith.constant 0 : i32
      %dma_wait3A_19 = arith.constant 0 : i32
      %dma_wait3A_20 = tpu.memref_slice %arg4[%add3A, %dma_wait3A_18, %dma_wait3A_19] : memref<32x24x128xi32, #tpu.memory_space<hbm>> -> memref<1x24x128xi32, #tpu.memory_space<hbm>>
      %dma_wait3A_21 = tpu.memref_squeeze %dma_wait3A_20 : memref<1x24x128xi32, #tpu.memory_space<hbm>> -> memref<24x128xi32, #tpu.memory_space<hbm>>
      tpu.wait_dma2 semaphore(%run_scoped3A : memref<!tpu.dma_semaphore, #tpu.memory_space<semaphore_mem>>) src(%dma_wait3A_21 : memref<24x128xi32, #tpu.memory_space<hbm>>) dst(%arg7 : memref<24x128xi32, #tpu.memory_space<vmem>>)
      tpu.yield
    }) : () -> ()
    %mul3A_1 = arith.constant 3072 : i32
    %mul3A_2 = arith.muli %add3A, %mul3A_1 : i32
    %scan3A = arith.constant 0 : i32
    %scan3A_3 = arith.constant 0 : i32
    %scan3A_4 = arith.constant 12 : i32
    %scan3A_5 = arith.addi %scan3A_3, %scan3A_4 : i32
    %scan3A_6 = arith.constant 1 : i32
    scf.for %scan3A_8 = %scan3A_3 to %scan3A_5 step %scan3A_6  : i32 {
      %mul3A_9 = arith.constant 2 : i32
      %mul3A_10 = arith.muli %mul3A_9, %scan3A_8 : i32
      %mul3A_11 = arith.constant 2 : i32
      %mul3A_12 = arith.muli %mul3A_11, %scan3A_8 : i32
      %add3A_13 = arith.constant 1 : i32
      %add3A_14 = arith.addi %mul3A_12, %add3A_13 : i32
      %dma_start3A = arith.constant 0 : i32
      %dma_start3A_15 = tpu.memref_slice %arg7[%mul3A_10, %dma_start3A] : memref<24x128xi32, #tpu.memory_space<vmem>> -> memref<1x128xi32, #tpu.memory_space<vmem>>
      %dma_start3A_16 = tpu.memref_squeeze %dma_start3A_15 : memref<1x128xi32, #tpu.memory_space<vmem>> -> memref<128xi32, #tpu.memory_space<vmem>>
      %dma_start3A_17 = arith.constant 0 : i32
      %dma_start3A_18 = arith.constant 0 : i32
      %dma_start3A_19 = tpu.memref_slice %arg2[%dma_start3A_17, %dma_start3A_18] : memref<393216x64xf32, #tpu.memory_space<hbm>> -> memref<393216x64xf32, #tpu.memory_space<hbm>>
      tpu.enqueue_indirect_dma source(%dma_start3A_19 : memref<393216x64xf32, #tpu.memory_space<hbm>>) target(%arg8 : memref<128x64xf32, #tpu.memory_space<vmem>>) offsets(%dma_start3A_16 : memref<128xi32, #tpu.memory_space<vmem>>) semaphore(%arg12 : memref<!tpu.dma_semaphore, #tpu.memory_space<semaphore_mem>>)
      %dma_start3A_20 = arith.constant 0 : i32
      %dma_start3A_21 = tpu.memref_slice %arg7[%mul3A_10, %dma_start3A_20] : memref<24x128xi32, #tpu.memory_space<vmem>> -> memref<1x128xi32, #tpu.memory_space<vmem>>
      %dma_start3A_22 = tpu.memref_squeeze %dma_start3A_21 : memref<1x128xi32, #tpu.memory_space<vmem>> -> memref<128xi32, #tpu.memory_space<vmem>>
      %dma_start3A_23 = arith.constant 0 : i32
      %dma_start3A_24 = arith.constant 0 : i32
      %dma_start3A_25 = tpu.memref_slice %arg3[%dma_start3A_23, %dma_start3A_24] : memref<393216x64xf32, #tpu.memory_space<hbm>> -> memref<393216x64xf32, #tpu.memory_space<hbm>>
      tpu.enqueue_indirect_dma source(%dma_start3A_25 : memref<393216x64xf32, #tpu.memory_space<hbm>>) target(%arg9 : memref<128x64xf32, #tpu.memory_space<vmem>>) offsets(%dma_start3A_22 : memref<128xi32, #tpu.memory_space<vmem>>) semaphore(%arg12 : memref<!tpu.dma_semaphore, #tpu.memory_space<semaphore_mem>>)
      %dma_start3A_26 = arith.constant 0 : i32
      %dma_start3A_27 = tpu.memref_slice %arg7[%add3A_14, %dma_start3A_26] : memref<24x128xi32, #tpu.memory_space<vmem>> -> memref<1x128xi32, #tpu.memory_space<vmem>>
      %dma_start3A_28 = tpu.memref_squeeze %dma_start3A_27 : memref<1x128xi32, #tpu.memory_space<vmem>> -> memref<128xi32, #tpu.memory_space<vmem>>
      %dma_start3A_29 = arith.constant 0 : i32
      %dma_start3A_30 = arith.constant 0 : i32
      %dma_start3A_31 = tpu.memref_slice %arg2[%dma_start3A_29, %dma_start3A_30] : memref<393216x64xf32, #tpu.memory_space<hbm>> -> memref<393216x64xf32, #tpu.memory_space<hbm>>
      tpu.enqueue_indirect_dma source(%dma_start3A_31 : memref<393216x64xf32, #tpu.memory_space<hbm>>) target(%arg10 : memref<128x64xf32, #tpu.memory_space<vmem>>) offsets(%dma_start3A_28 : memref<128xi32, #tpu.memory_space<vmem>>) semaphore(%arg13 : memref<!tpu.dma_semaphore, #tpu.memory_space<semaphore_mem>>)
      %dma_start3A_32 = arith.constant 0 : i32
      %dma_start3A_33 = tpu.memref_slice %arg7[%add3A_14, %dma_start3A_32] : memref<24x128xi32, #tpu.memory_space<vmem>> -> memref<1x128xi32, #tpu.memory_space<vmem>>
      %dma_start3A_34 = tpu.memref_squeeze %dma_start3A_33 : memref<1x128xi32, #tpu.memory_space<vmem>> -> memref<128xi32, #tpu.memory_space<vmem>>
      %dma_start3A_35 = arith.constant 0 : i32
      %dma_start3A_36 = arith.constant 0 : i32
      %dma_start3A_37 = tpu.memref_slice %arg3[%dma_start3A_35, %dma_start3A_36] : memref<393216x64xf32, #tpu.memory_space<hbm>> -> memref<393216x64xf32, #tpu.memory_space<hbm>>
      tpu.enqueue_indirect_dma source(%dma_start3A_37 : memref<393216x64xf32, #tpu.memory_space<hbm>>) target(%arg11 : memref<128x64xf32, #tpu.memory_space<vmem>>) offsets(%dma_start3A_34 : memref<128xi32, #tpu.memory_space<vmem>>) semaphore(%arg13 : memref<!tpu.dma_semaphore, #tpu.memory_space<semaphore_mem>>)
      %dma_wait3A = arith.constant 0 : i32
      %dma_wait3A_38 = tpu.memref_slice %arg7[%mul3A_10, %dma_wait3A] : memref<24x128xi32, #tpu.memory_space<vmem>> -> memref<1x128xi32, #tpu.memory_space<vmem>>
      %dma_wait3A_39 = tpu.memref_squeeze %dma_wait3A_38 : memref<1x128xi32, #tpu.memory_space<vmem>> -> memref<128xi32, #tpu.memory_space<vmem>>
      %dma_wait3A_40 = arith.constant 0 : i32
      %dma_wait3A_41 = arith.constant 0 : i32
      %dma_wait3A_42 = tpu.memref_slice %arg2[%dma_wait3A_40, %dma_wait3A_41] : memref<393216x64xf32, #tpu.memory_space<hbm>> -> memref<393216x64xf32, #tpu.memory_space<hbm>>
      tpu.wait_indirect_dma semaphore(%arg12 : memref<!tpu.dma_semaphore, #tpu.memory_space<semaphore_mem>>) src(%dma_wait3A_42 : memref<393216x64xf32, #tpu.memory_space<hbm>>) dst(%arg8 : memref<128x64xf32, #tpu.memory_space<vmem>>)
      %dma_wait3A_43 = arith.constant 0 : i32
      %dma_wait3A_44 = tpu.memref_slice %arg7[%mul3A_10, %dma_wait3A_43] : memref<24x128xi32, #tpu.memory_space<vmem>> -> memref<1x128xi32, #tpu.memory_space<vmem>>
      %dma_wait3A_45 = tpu.memref_squeeze %dma_wait3A_44 : memref<1x128xi32, #tpu.memory_space<vmem>> -> memref<128xi32, #tpu.memory_space<vmem>>
      %dma_wait3A_46 = arith.constant 0 : i32
      %dma_wait3A_47 = arith.constant 0 : i32
      %dma_wait3A_48 = tpu.memref_slice %arg3[%dma_wait3A_46, %dma_wait3A_47] : memref<393216x64xf32, #tpu.memory_space<hbm>> -> memref<393216x64xf32, #tpu.memory_space<hbm>>
      tpu.wait_indirect_dma semaphore(%arg12 : memref<!tpu.dma_semaphore, #tpu.memory_space<semaphore_mem>>) src(%dma_wait3A_48 : memref<393216x64xf32, #tpu.memory_space<hbm>>) dst(%arg9 : memref<128x64xf32, #tpu.memory_space<vmem>>)
      %mul3A_49 = arith.constant 128 : i32
      %mul3A_50 = arith.muli %mul3A_10, %mul3A_49 : i32
      %add3A_51 = arith.addi %mul3A_2, %mul3A_50 : i32
      "tpu.region"() ({
        %run_scoped3A = tpu.sem_alloc : memref<!tpu.dma_semaphore, #tpu.memory_space<semaphore_mem>>
        %dma_start3A_73 = arith.constant 0 : i32
        %dma_start3A_74 = tpu.memref_slice %arg5[%add3A_51, %dma_start3A_73] : memref<98304x64xf32, #tpu.memory_space<hbm>> -> memref<128x64xf32, #tpu.memory_space<hbm>>
        %dma_start3A_75 = arith.constant 0 : i32
        %dma_start3A_76 = tpu.memref_slice %arg5[%add3A_51, %dma_start3A_75] : memref<98304x64xf32, #tpu.memory_space<hbm>> -> memref<128x64xf32, #tpu.memory_space<hbm>>
        tpu.enqueue_dma source(%arg8 : memref<128x64xf32, #tpu.memory_space<vmem>>) target(%dma_start3A_76 : memref<128x64xf32, #tpu.memory_space<hbm>>) target_semaphore(%run_scoped3A : memref<!tpu.dma_semaphore, #tpu.memory_space<semaphore_mem>>)
        %dma_wait3A_77 = arith.constant 0 : i32
        %dma_wait3A_78 = tpu.memref_slice %arg5[%add3A_51, %dma_wait3A_77] : memref<98304x64xf32, #tpu.memory_space<hbm>> -> memref<128x64xf32, #tpu.memory_space<hbm>>
        %dma_wait3A_79 = arith.constant 0 : i32
        %dma_wait3A_80 = tpu.memref_slice %arg5[%add3A_51, %dma_wait3A_79] : memref<98304x64xf32, #tpu.memory_space<hbm>> -> memref<128x64xf32, #tpu.memory_space<hbm>>
        tpu.wait_dma2 semaphore(%run_scoped3A : memref<!tpu.dma_semaphore, #tpu.memory_space<semaphore_mem>>) src(%arg8 : memref<128x64xf32, #tpu.memory_space<vmem>>) dst(%dma_wait3A_80 : memref<128x64xf32, #tpu.memory_space<hbm>>)
        tpu.yield
      }) : () -> ()
      %mul3A_52 = arith.constant 128 : i32
      %mul3A_53 = arith.muli %mul3A_10, %mul3A_52 : i32
      %add3A_54 = arith.addi %mul3A_2, %mul3A_53 : i32
      "tpu.region"() ({
        %run_scoped3A = tpu.sem_alloc : memref<!tpu.dma_semaphore, #tpu.memory_space<semaphore_mem>>
        %dma_start3A_73 = arith.constant 0 : i32
        %dma_start3A_74 = tpu.memref_slice %arg6[%add3A_54, %dma_start3A_73] : memref<98304x64xf32, #tpu.memory_space<hbm>> -> memref<128x64xf32, #tpu.memory_space<hbm>>
        %dma_start3A_75 = arith.constant 0 : i32
        %dma_start3A_76 = tpu.memref_slice %arg6[%add3A_54, %dma_start3A_75] : memref<98304x64xf32, #tpu.memory_space<hbm>> -> memref<128x64xf32, #tpu.memory_space<hbm>>
        tpu.enqueue_dma source(%arg9 : memref<128x64xf32, #tpu.memory_space<vmem>>) target(%dma_start3A_76 : memref<128x64xf32, #tpu.memory_space<hbm>>) target_semaphore(%run_scoped3A : memref<!tpu.dma_semaphore, #tpu.memory_space<semaphore_mem>>)
        %dma_wait3A_77 = arith.constant 0 : i32
        %dma_wait3A_78 = tpu.memref_slice %arg6[%add3A_54, %dma_wait3A_77] : memref<98304x64xf32, #tpu.memory_space<hbm>> -> memref<128x64xf32, #tpu.memory_space<hbm>>
        %dma_wait3A_79 = arith.constant 0 : i32
        %dma_wait3A_80 = tpu.memref_slice %arg6[%add3A_54, %dma_wait3A_79] : memref<98304x64xf32, #tpu.memory_space<hbm>> -> memref<128x64xf32, #tpu.memory_space<hbm>>
        tpu.wait_dma2 semaphore(%run_scoped3A : memref<!tpu.dma_semaphore, #tpu.memory_space<semaphore_mem>>) src(%arg9 : memref<128x64xf32, #tpu.memory_space<vmem>>) dst(%dma_wait3A_80 : memref<128x64xf32, #tpu.memory_space<hbm>>)
        tpu.yield
      }) : () -> ()
      %dma_wait3A_55 = arith.constant 0 : i32
      %dma_wait3A_56 = tpu.memref_slice %arg7[%add3A_14, %dma_wait3A_55] : memref<24x128xi32, #tpu.memory_space<vmem>> -> memref<1x128xi32, #tpu.memory_space<vmem>>
      %dma_wait3A_57 = tpu.memref_squeeze %dma_wait3A_56 : memref<1x128xi32, #tpu.memory_space<vmem>> -> memref<128xi32, #tpu.memory_space<vmem>>
      %dma_wait3A_58 = arith.constant 0 : i32
      %dma_wait3A_59 = arith.constant 0 : i32
      %dma_wait3A_60 = tpu.memref_slice %arg2[%dma_wait3A_58, %dma_wait3A_59] : memref<393216x64xf32, #tpu.memory_space<hbm>> -> memref<393216x64xf32, #tpu.memory_space<hbm>>
      tpu.wait_indirect_dma semaphore(%arg13 : memref<!tpu.dma_semaphore, #tpu.memory_space<semaphore_mem>>) src(%dma_wait3A_60 : memref<393216x64xf32, #tpu.memory_space<hbm>>) dst(%arg10 : memref<128x64xf32, #tpu.memory_space<vmem>>)
      %dma_wait3A_61 = arith.constant 0 : i32
      %dma_wait3A_62 = tpu.memref_slice %arg7[%add3A_14, %dma_wait3A_61] : memref<24x128xi32, #tpu.memory_space<vmem>> -> memref<1x128xi32, #tpu.memory_space<vmem>>
      %dma_wait3A_63 = tpu.memref_squeeze %dma_wait3A_62 : memref<1x128xi32, #tpu.memory_space<vmem>> -> memref<128xi32, #tpu.memory_space<vmem>>
      %dma_wait3A_64 = arith.constant 0 : i32
      %dma_wait3A_65 = arith.constant 0 : i32
      %dma_wait3A_66 = tpu.memref_slice %arg3[%dma_wait3A_64, %dma_wait3A_65] : memref<393216x64xf32, #tpu.memory_space<hbm>> -> memref<393216x64xf32, #tpu.memory_space<hbm>>
      tpu.wait_indirect_dma semaphore(%arg13 : memref<!tpu.dma_semaphore, #tpu.memory_space<semaphore_mem>>) src(%dma_wait3A_66 : memref<393216x64xf32, #tpu.memory_space<hbm>>) dst(%arg11 : memref<128x64xf32, #tpu.memory_space<vmem>>)
      %mul3A_67 = arith.constant 128 : i32
      %mul3A_68 = arith.muli %add3A_14, %mul3A_67 : i32
      %add3A_69 = arith.addi %mul3A_2, %mul3A_68 : i32
      "tpu.region"() ({
        %run_scoped3A = tpu.sem_alloc : memref<!tpu.dma_semaphore, #tpu.memory_space<semaphore_mem>>
        %dma_start3A_73 = arith.constant 0 : i32
        %dma_start3A_74 = tpu.memref_slice %arg5[%add3A_69, %dma_start3A_73] : memref<98304x64xf32, #tpu.memory_space<hbm>> -> memref<128x64xf32, #tpu.memory_space<hbm>>
        %dma_start3A_75 = arith.constant 0 : i32
        %dma_start3A_76 = tpu.memref_slice %arg5[%add3A_69, %dma_start3A_75] : memref<98304x64xf32, #tpu.memory_space<hbm>> -> memref<128x64xf32, #tpu.memory_space<hbm>>
        tpu.enqueue_dma source(%arg10 : memref<128x64xf32, #tpu.memory_space<vmem>>) target(%dma_start3A_76 : memref<128x64xf32, #tpu.memory_space<hbm>>) target_semaphore(%run_scoped3A : memref<!tpu.dma_semaphore, #tpu.memory_space<semaphore_mem>>)
        %dma_wait3A_77 = arith.constant 0 : i32
        %dma_wait3A_78 = tpu.memref_slice %arg5[%add3A_69, %dma_wait3A_77] : memref<98304x64xf32, #tpu.memory_space<hbm>> -> memref<128x64xf32, #tpu.memory_space<hbm>>
        %dma_wait3A_79 = arith.constant 0 : i32
        %dma_wait3A_80 = tpu.memref_slice %arg5[%add3A_69, %dma_wait3A_79] : memref<98304x64xf32, #tpu.memory_space<hbm>> -> memref<128x64xf32, #tpu.memory_space<hbm>>
        tpu.wait_dma2 semaphore(%run_scoped3A : memref<!tpu.dma_semaphore, #tpu.memory_space<semaphore_mem>>) src(%arg10 : memref<128x64xf32, #tpu.memory_space<vmem>>) dst(%dma_wait3A_80 : memref<128x64xf32, #tpu.memory_space<hbm>>)
        tpu.yield
      }) : () -> ()
      %mul3A_70 = arith.constant 128 : i32
      %mul3A_71 = arith.muli %add3A_14, %mul3A_70 : i32
      %add3A_72 = arith.addi %mul3A_2, %mul3A_71 : i32
      "tpu.region"() ({
        %run_scoped3A = tpu.sem_alloc : memref<!tpu.dma_semaphore, #tpu.memory_space<semaphore_mem>>
        %dma_start3A_73 = arith.constant 0 : i32
        %dma_start3A_74 = tpu.memref_slice %arg6[%add3A_72, %dma_start3A_73] : memref<98304x64xf32, #tpu.memory_space<hbm>> -> memref<128x64xf32, #tpu.memory_space<hbm>>
        %dma_start3A_75 = arith.constant 0 : i32
        %dma_start3A_76 = tpu.memref_slice %arg6[%add3A_72, %dma_start3A_75] : memref<98304x64xf32, #tpu.memory_space<hbm>> -> memref<128x64xf32, #tpu.memory_space<hbm>>
        tpu.enqueue_dma source(%arg11 : memref<128x64xf32, #tpu.memory_space<vmem>>) target(%dma_start3A_76 : memref<128x64xf32, #tpu.memory_space<hbm>>) target_semaphore(%run_scoped3A : memref<!tpu.dma_semaphore, #tpu.memory_space<semaphore_mem>>)
        %dma_wait3A_77 = arith.constant 0 : i32
        %dma_wait3A_78 = tpu.memref_slice %arg6[%add3A_72, %dma_wait3A_77] : memref<98304x64xf32, #tpu.memory_space<hbm>> -> memref<128x64xf32, #tpu.memory_space<hbm>>
        %dma_wait3A_79 = arith.constant 0 : i32
        %dma_wait3A_80 = tpu.memref_slice %arg6[%add3A_72, %dma_wait3A_79] : memref<98304x64xf32, #tpu.memory_space<hbm>> -> memref<128x64xf32, #tpu.memory_space<hbm>>
        tpu.wait_dma2 semaphore(%run_scoped3A : memref<!tpu.dma_semaphore, #tpu.memory_space<semaphore_mem>>) src(%arg11 : memref<128x64xf32, #tpu.memory_space<vmem>>) dst(%dma_wait3A_80 : memref<128x64xf32, #tpu.memory_space<hbm>>)
        tpu.yield
      }) : () -> ()
    }
    %scan3A_7 = arith.constant 12 : i32
    return
  }
}

module attributes {stable_mosaic.version = 14 : i64} {
  func.func @_topk_body(%arg0: i32, %arg1: memref<64x32xf32, #tpu.memory_space<vmem>>, %arg2: memref<1x2x2048x32xf32, #tpu.memory_space<vmem>>, %arg3: memref<2x64x8xi32, #tpu.memory_space<vmem>>, %arg4: memref<2x1x512xi32, #tpu.memory_space<vmem>>) attributes {dimension_semantics = [#tpu.dimension_semantics<arbitrary>], iteration_bounds = array<i64: 96>, scalar_prefetch = 0 : i64, scratch_operands = 0 : i64, tpu.core_type = #tpu.core_type<tc>, window_params = [{pipeline_mode = #tpu.pipeline_mode<synchronous>, transform_indices = @transform_0, window_bounds = array<i64: 64, 32>}, {transform_indices = @transform_1, window_bounds = array<i64: 1, 2, 2048, 32>}, {transform_indices = @transform_2, window_bounds = array<i64: 2, 64, 8>}, {transform_indices = @transform_3, window_bounds = array<i64: 2, 1, 512>}]} {
    %get3A = arith.constant 0 : index
    %get3A_0 = arith.constant 0 : index
    %get3A_1 = vector.load %arg1[%get3A, %get3A_0] : memref<64x32xf32, #tpu.memory_space<vmem>>, vector<64x32xf32>
    %iota3A = tpu.iota {dimensions = array<i32: 1>} : vector<64x2048xi32>
    %convert_element_type3A = arith.sitofp %iota3A : vector<64x2048xi32> to vector<64x2048xf32>
    %iota3A_2 = tpu.iota {dimensions = array<i32: 1>} : vector<64x8xi32>
    %iota3A_3 = tpu.iota {dimensions = array<i32: 1>} : vector<64x512xi32>
    %iota3A_4 = tpu.iota {dimensions = array<i32: 0>} : vector<64x512xi32>
    %get3A_5 = arith.constant 0 : index
    %get3A_6 = arith.constant 0 : index
    %get3A_7 = arith.constant 0 : index
    %get3A_8 = arith.constant 0 : index
    %get3A_9 = vector.load %arg2[%get3A_5, %get3A_6, %get3A_7, %get3A_8] : memref<1x2x2048x32xf32, #tpu.memory_space<vmem>>, vector<1x1x2048x32xf32>
    %get3A_10 = vector.shape_cast %get3A_9 : vector<1x1x2048x32xf32> to vector<2048x32xf32>
    %dot_general3A = arith.constant dense<0.000000e+00> : vector<64x2048xf32>
    %dot_general3A_11 = tpu.matmul %get3A_1, %get3A_10, %dot_general3A {dimension_numbers = #tpu.dot_dimension_numbers<[1], [1], [0], [0], [0, 0, 1, 0], [], []>, transpose_lhs_hint = false} : vector<64x32xf32>, vector<2048x32xf32>, vector<64x2048xf32> -> vector<64x2048xf32>
    %broadcast_in_dim3A = arith.constant 0.000000e+00 : f32
    %broadcast_in_dim3A_12 = vector.broadcast %broadcast_in_dim3A : f32 to vector<64x8xf32>
    %reduce_max3A = arith.constant dense<0xFF800000> : vector<64xf32>
    %reduce_max3A_13 = vector.multi_reduction <maximumf>, %dot_general3A_11, %reduce_max3A [1] : vector<64x2048xf32> to vector<64xf32>
    %broadcast_in_dim3A_14 = vector.shape_cast %reduce_max3A_13 : vector<64xf32> to vector<64x1xf32>
    %eq3A = vector.broadcast %broadcast_in_dim3A_14 : vector<64x1xf32> to vector<64x2048xf32>
    %eq3A_15 = arith.cmpf oeq, %dot_general3A_11, %eq3A : vector<64x2048xf32>
    %jit3A = arith.constant 2.048000e+03 : f32
    %broadcast_in_dim3A_16 = vector.broadcast %jit3A : f32 to vector<64x2048xf32>
    %select_n3A = arith.select %eq3A_15, %convert_element_type3A, %broadcast_in_dim3A_16 : vector<64x2048xi1>, vector<64x2048xf32>
    %reduce_min3A = arith.constant dense<0x7F800000> : vector<64xf32>
    %reduce_min3A_17 = vector.multi_reduction <minimumf>, %select_n3A, %reduce_min3A [1] : vector<64x2048xf32> to vector<64xf32>
    %broadcast_in_dim3A_18 = vector.shape_cast %reduce_min3A_17 : vector<64xf32> to vector<64x1xf32>
    %eq3A_19 = arith.constant 0 : i32
    %eq3A_20 = vector.broadcast %eq3A_19 : i32 to vector<64x8xi32>
    %eq3A_21 = arith.cmpi eq, %iota3A_2, %eq3A_20 : vector<64x8xi32>
    %broadcast_in_dim3A_22 = vector.shape_cast %broadcast_in_dim3A_18 : vector<64x1xf32> to vector<64x1xf32>
    %broadcast_in_dim3A_23 = vector.broadcast %broadcast_in_dim3A_22 : vector<64x1xf32> to vector<64x8xf32>
    %select_n3A_24 = arith.select %eq3A_21, %broadcast_in_dim3A_23, %broadcast_in_dim3A_12 : vector<64x8xi1>, vector<64x8xf32>
    %eq3A_25 = vector.broadcast %broadcast_in_dim3A_18 : vector<64x1xf32> to vector<64x2048xf32>
    %eq3A_26 = arith.cmpf oeq, %convert_element_type3A, %eq3A_25 : vector<64x2048xf32>
    %jit3A_27 = arith.constant 0xFF800000 : f32
    %broadcast_in_dim3A_28 = vector.broadcast %jit3A_27 : f32 to vector<64x2048xf32>
    %select_n3A_29 = arith.select %eq3A_26, %broadcast_in_dim3A_28, %dot_general3A_11 : vector<64x2048xi1>, vector<64x2048xf32>
    %reduce_max3A_30 = arith.constant dense<0xFF800000> : vector<64xf32>
    %reduce_max3A_31 = vector.multi_reduction <maximumf>, %select_n3A_29, %reduce_max3A_30 [1] : vector<64x2048xf32> to vector<64xf32>
    %broadcast_in_dim3A_32 = vector.shape_cast %reduce_max3A_31 : vector<64xf32> to vector<64x1xf32>
    %eq3A_33 = vector.broadcast %broadcast_in_dim3A_32 : vector<64x1xf32> to vector<64x2048xf32>
    %eq3A_34 = arith.cmpf oeq, %select_n3A_29, %eq3A_33 : vector<64x2048xf32>
    %jit3A_35 = arith.constant 2.048000e+03 : f32
    %broadcast_in_dim3A_36 = vector.broadcast %jit3A_35 : f32 to vector<64x2048xf32>
    %select_n3A_37 = arith.select %eq3A_34, %convert_element_type3A, %broadcast_in_dim3A_36 : vector<64x2048xi1>, vector<64x2048xf32>
    %reduce_min3A_38 = arith.constant dense<0x7F800000> : vector<64xf32>
    %reduce_min3A_39 = vector.multi_reduction <minimumf>, %select_n3A_37, %reduce_min3A_38 [1] : vector<64x2048xf32> to vector<64xf32>
    %broadcast_in_dim3A_40 = vector.shape_cast %reduce_min3A_39 : vector<64xf32> to vector<64x1xf32>
    %eq3A_41 = arith.constant 1 : i32
    %eq3A_42 = vector.broadcast %eq3A_41 : i32 to vector<64x8xi32>
    %eq3A_43 = arith.cmpi eq, %iota3A_2, %eq3A_42 : vector<64x8xi32>
    %broadcast_in_dim3A_44 = vector.shape_cast %broadcast_in_dim3A_40 : vector<64x1xf32> to vector<64x1xf32>
    %broadcast_in_dim3A_45 = vector.broadcast %broadcast_in_dim3A_44 : vector<64x1xf32> to vector<64x8xf32>
    %select_n3A_46 = arith.select %eq3A_43, %broadcast_in_dim3A_45, %select_n3A_24 : vector<64x8xi1>, vector<64x8xf32>
    %eq3A_47 = vector.broadcast %broadcast_in_dim3A_40 : vector<64x1xf32> to vector<64x2048xf32>
    %eq3A_48 = arith.cmpf oeq, %convert_element_type3A, %eq3A_47 : vector<64x2048xf32>
    %jit3A_49 = arith.constant 0xFF800000 : f32
    %broadcast_in_dim3A_50 = vector.broadcast %jit3A_49 : f32 to vector<64x2048xf32>
    %select_n3A_51 = arith.select %eq3A_48, %broadcast_in_dim3A_50, %select_n3A_29 : vector<64x2048xi1>, vector<64x2048xf32>
    %reduce_max3A_52 = arith.constant dense<0xFF800000> : vector<64xf32>
    %reduce_max3A_53 = vector.multi_reduction <maximumf>, %select_n3A_51, %reduce_max3A_52 [1] : vector<64x2048xf32> to vector<64xf32>
    %broadcast_in_dim3A_54 = vector.shape_cast %reduce_max3A_53 : vector<64xf32> to vector<64x1xf32>
    %eq3A_55 = vector.broadcast %broadcast_in_dim3A_54 : vector<64x1xf32> to vector<64x2048xf32>
    %eq3A_56 = arith.cmpf oeq, %select_n3A_51, %eq3A_55 : vector<64x2048xf32>
    %jit3A_57 = arith.constant 2.048000e+03 : f32
    %broadcast_in_dim3A_58 = vector.broadcast %jit3A_57 : f32 to vector<64x2048xf32>
    %select_n3A_59 = arith.select %eq3A_56, %convert_element_type3A, %broadcast_in_dim3A_58 : vector<64x2048xi1>, vector<64x2048xf32>
    %reduce_min3A_60 = arith.constant dense<0x7F800000> : vector<64xf32>
    %reduce_min3A_61 = vector.multi_reduction <minimumf>, %select_n3A_59, %reduce_min3A_60 [1] : vector<64x2048xf32> to vector<64xf32>
    %broadcast_in_dim3A_62 = vector.shape_cast %reduce_min3A_61 : vector<64xf32> to vector<64x1xf32>
    %eq3A_63 = arith.constant 2 : i32
    %eq3A_64 = vector.broadcast %eq3A_63 : i32 to vector<64x8xi32>
    %eq3A_65 = arith.cmpi eq, %iota3A_2, %eq3A_64 : vector<64x8xi32>
    %broadcast_in_dim3A_66 = vector.shape_cast %broadcast_in_dim3A_62 : vector<64x1xf32> to vector<64x1xf32>
    %broadcast_in_dim3A_67 = vector.broadcast %broadcast_in_dim3A_66 : vector<64x1xf32> to vector<64x8xf32>
    %select_n3A_68 = arith.select %eq3A_65, %broadcast_in_dim3A_67, %select_n3A_46 : vector<64x8xi1>, vector<64x8xf32>
    %eq3A_69 = vector.broadcast %broadcast_in_dim3A_62 : vector<64x1xf32> to vector<64x2048xf32>
    %eq3A_70 = arith.cmpf oeq, %convert_element_type3A, %eq3A_69 : vector<64x2048xf32>
    %jit3A_71 = arith.constant 0xFF800000 : f32
    %broadcast_in_dim3A_72 = vector.broadcast %jit3A_71 : f32 to vector<64x2048xf32>
    %select_n3A_73 = arith.select %eq3A_70, %broadcast_in_dim3A_72, %select_n3A_51 : vector<64x2048xi1>, vector<64x2048xf32>
    %reduce_max3A_74 = arith.constant dense<0xFF800000> : vector<64xf32>
    %reduce_max3A_75 = vector.multi_reduction <maximumf>, %select_n3A_73, %reduce_max3A_74 [1] : vector<64x2048xf32> to vector<64xf32>
    %broadcast_in_dim3A_76 = vector.shape_cast %reduce_max3A_75 : vector<64xf32> to vector<64x1xf32>
    %eq3A_77 = vector.broadcast %broadcast_in_dim3A_76 : vector<64x1xf32> to vector<64x2048xf32>
    %eq3A_78 = arith.cmpf oeq, %select_n3A_73, %eq3A_77 : vector<64x2048xf32>
    %jit3A_79 = arith.constant 2.048000e+03 : f32
    %broadcast_in_dim3A_80 = vector.broadcast %jit3A_79 : f32 to vector<64x2048xf32>
    %select_n3A_81 = arith.select %eq3A_78, %convert_element_type3A, %broadcast_in_dim3A_80 : vector<64x2048xi1>, vector<64x2048xf32>
    %reduce_min3A_82 = arith.constant dense<0x7F800000> : vector<64xf32>
    %reduce_min3A_83 = vector.multi_reduction <minimumf>, %select_n3A_81, %reduce_min3A_82 [1] : vector<64x2048xf32> to vector<64xf32>
    %broadcast_in_dim3A_84 = vector.shape_cast %reduce_min3A_83 : vector<64xf32> to vector<64x1xf32>
    %eq3A_85 = arith.constant 3 : i32
    %eq3A_86 = vector.broadcast %eq3A_85 : i32 to vector<64x8xi32>
    %eq3A_87 = arith.cmpi eq, %iota3A_2, %eq3A_86 : vector<64x8xi32>
    %broadcast_in_dim3A_88 = vector.shape_cast %broadcast_in_dim3A_84 : vector<64x1xf32> to vector<64x1xf32>
    %broadcast_in_dim3A_89 = vector.broadcast %broadcast_in_dim3A_88 : vector<64x1xf32> to vector<64x8xf32>
    %select_n3A_90 = arith.select %eq3A_87, %broadcast_in_dim3A_89, %select_n3A_68 : vector<64x8xi1>, vector<64x8xf32>
    %eq3A_91 = vector.broadcast %broadcast_in_dim3A_84 : vector<64x1xf32> to vector<64x2048xf32>
    %eq3A_92 = arith.cmpf oeq, %convert_element_type3A, %eq3A_91 : vector<64x2048xf32>
    %jit3A_93 = arith.constant 0xFF800000 : f32
    %broadcast_in_dim3A_94 = vector.broadcast %jit3A_93 : f32 to vector<64x2048xf32>
    %select_n3A_95 = arith.select %eq3A_92, %broadcast_in_dim3A_94, %select_n3A_73 : vector<64x2048xi1>, vector<64x2048xf32>
    %reduce_max3A_96 = arith.constant dense<0xFF800000> : vector<64xf32>
    %reduce_max3A_97 = vector.multi_reduction <maximumf>, %select_n3A_95, %reduce_max3A_96 [1] : vector<64x2048xf32> to vector<64xf32>
    %broadcast_in_dim3A_98 = vector.shape_cast %reduce_max3A_97 : vector<64xf32> to vector<64x1xf32>
    %eq3A_99 = vector.broadcast %broadcast_in_dim3A_98 : vector<64x1xf32> to vector<64x2048xf32>
    %eq3A_100 = arith.cmpf oeq, %select_n3A_95, %eq3A_99 : vector<64x2048xf32>
    %jit3A_101 = arith.constant 2.048000e+03 : f32
    %broadcast_in_dim3A_102 = vector.broadcast %jit3A_101 : f32 to vector<64x2048xf32>
    %select_n3A_103 = arith.select %eq3A_100, %convert_element_type3A, %broadcast_in_dim3A_102 : vector<64x2048xi1>, vector<64x2048xf32>
    %reduce_min3A_104 = arith.constant dense<0x7F800000> : vector<64xf32>
    %reduce_min3A_105 = vector.multi_reduction <minimumf>, %select_n3A_103, %reduce_min3A_104 [1] : vector<64x2048xf32> to vector<64xf32>
    %broadcast_in_dim3A_106 = vector.shape_cast %reduce_min3A_105 : vector<64xf32> to vector<64x1xf32>
    %eq3A_107 = arith.constant 4 : i32
    %eq3A_108 = vector.broadcast %eq3A_107 : i32 to vector<64x8xi32>
    %eq3A_109 = arith.cmpi eq, %iota3A_2, %eq3A_108 : vector<64x8xi32>
    %broadcast_in_dim3A_110 = vector.shape_cast %broadcast_in_dim3A_106 : vector<64x1xf32> to vector<64x1xf32>
    %broadcast_in_dim3A_111 = vector.broadcast %broadcast_in_dim3A_110 : vector<64x1xf32> to vector<64x8xf32>
    %select_n3A_112 = arith.select %eq3A_109, %broadcast_in_dim3A_111, %select_n3A_90 : vector<64x8xi1>, vector<64x8xf32>
    %eq3A_113 = vector.broadcast %broadcast_in_dim3A_106 : vector<64x1xf32> to vector<64x2048xf32>
    %eq3A_114 = arith.cmpf oeq, %convert_element_type3A, %eq3A_113 : vector<64x2048xf32>
    %jit3A_115 = arith.constant 0xFF800000 : f32
    %broadcast_in_dim3A_116 = vector.broadcast %jit3A_115 : f32 to vector<64x2048xf32>
    %select_n3A_117 = arith.select %eq3A_114, %broadcast_in_dim3A_116, %select_n3A_95 : vector<64x2048xi1>, vector<64x2048xf32>
    %reduce_max3A_118 = arith.constant dense<0xFF800000> : vector<64xf32>
    %reduce_max3A_119 = vector.multi_reduction <maximumf>, %select_n3A_117, %reduce_max3A_118 [1] : vector<64x2048xf32> to vector<64xf32>
    %broadcast_in_dim3A_120 = vector.shape_cast %reduce_max3A_119 : vector<64xf32> to vector<64x1xf32>
    %eq3A_121 = vector.broadcast %broadcast_in_dim3A_120 : vector<64x1xf32> to vector<64x2048xf32>
    %eq3A_122 = arith.cmpf oeq, %select_n3A_117, %eq3A_121 : vector<64x2048xf32>
    %jit3A_123 = arith.constant 2.048000e+03 : f32
    %broadcast_in_dim3A_124 = vector.broadcast %jit3A_123 : f32 to vector<64x2048xf32>
    %select_n3A_125 = arith.select %eq3A_122, %convert_element_type3A, %broadcast_in_dim3A_124 : vector<64x2048xi1>, vector<64x2048xf32>
    %reduce_min3A_126 = arith.constant dense<0x7F800000> : vector<64xf32>
    %reduce_min3A_127 = vector.multi_reduction <minimumf>, %select_n3A_125, %reduce_min3A_126 [1] : vector<64x2048xf32> to vector<64xf32>
    %broadcast_in_dim3A_128 = vector.shape_cast %reduce_min3A_127 : vector<64xf32> to vector<64x1xf32>
    %eq3A_129 = arith.constant 5 : i32
    %eq3A_130 = vector.broadcast %eq3A_129 : i32 to vector<64x8xi32>
    %eq3A_131 = arith.cmpi eq, %iota3A_2, %eq3A_130 : vector<64x8xi32>
    %broadcast_in_dim3A_132 = vector.shape_cast %broadcast_in_dim3A_128 : vector<64x1xf32> to vector<64x1xf32>
    %broadcast_in_dim3A_133 = vector.broadcast %broadcast_in_dim3A_132 : vector<64x1xf32> to vector<64x8xf32>
    %select_n3A_134 = arith.select %eq3A_131, %broadcast_in_dim3A_133, %select_n3A_112 : vector<64x8xi1>, vector<64x8xf32>
    %eq3A_135 = vector.broadcast %broadcast_in_dim3A_128 : vector<64x1xf32> to vector<64x2048xf32>
    %eq3A_136 = arith.cmpf oeq, %convert_element_type3A, %eq3A_135 : vector<64x2048xf32>
    %jit3A_137 = arith.constant 0xFF800000 : f32
    %broadcast_in_dim3A_138 = vector.broadcast %jit3A_137 : f32 to vector<64x2048xf32>
    %select_n3A_139 = arith.select %eq3A_136, %broadcast_in_dim3A_138, %select_n3A_117 : vector<64x2048xi1>, vector<64x2048xf32>
    %reduce_max3A_140 = arith.constant dense<0xFF800000> : vector<64xf32>
    %reduce_max3A_141 = vector.multi_reduction <maximumf>, %select_n3A_139, %reduce_max3A_140 [1] : vector<64x2048xf32> to vector<64xf32>
    %broadcast_in_dim3A_142 = vector.shape_cast %reduce_max3A_141 : vector<64xf32> to vector<64x1xf32>
    %eq3A_143 = vector.broadcast %broadcast_in_dim3A_142 : vector<64x1xf32> to vector<64x2048xf32>
    %eq3A_144 = arith.cmpf oeq, %select_n3A_139, %eq3A_143 : vector<64x2048xf32>
    %jit3A_145 = arith.constant 2.048000e+03 : f32
    %broadcast_in_dim3A_146 = vector.broadcast %jit3A_145 : f32 to vector<64x2048xf32>
    %select_n3A_147 = arith.select %eq3A_144, %convert_element_type3A, %broadcast_in_dim3A_146 : vector<64x2048xi1>, vector<64x2048xf32>
    %reduce_min3A_148 = arith.constant dense<0x7F800000> : vector<64xf32>
    %reduce_min3A_149 = vector.multi_reduction <minimumf>, %select_n3A_147, %reduce_min3A_148 [1] : vector<64x2048xf32> to vector<64xf32>
    %broadcast_in_dim3A_150 = vector.shape_cast %reduce_min3A_149 : vector<64xf32> to vector<64x1xf32>
    %eq3A_151 = arith.constant 6 : i32
    %eq3A_152 = vector.broadcast %eq3A_151 : i32 to vector<64x8xi32>
    %eq3A_153 = arith.cmpi eq, %iota3A_2, %eq3A_152 : vector<64x8xi32>
    %broadcast_in_dim3A_154 = vector.shape_cast %broadcast_in_dim3A_150 : vector<64x1xf32> to vector<64x1xf32>
    %broadcast_in_dim3A_155 = vector.broadcast %broadcast_in_dim3A_154 : vector<64x1xf32> to vector<64x8xf32>
    %select_n3A_156 = arith.select %eq3A_153, %broadcast_in_dim3A_155, %select_n3A_134 : vector<64x8xi1>, vector<64x8xf32>
    %eq3A_157 = vector.broadcast %broadcast_in_dim3A_150 : vector<64x1xf32> to vector<64x2048xf32>
    %eq3A_158 = arith.cmpf oeq, %convert_element_type3A, %eq3A_157 : vector<64x2048xf32>
    %jit3A_159 = arith.constant 0xFF800000 : f32
    %broadcast_in_dim3A_160 = vector.broadcast %jit3A_159 : f32 to vector<64x2048xf32>
    %select_n3A_161 = arith.select %eq3A_158, %broadcast_in_dim3A_160, %select_n3A_139 : vector<64x2048xi1>, vector<64x2048xf32>
    %reduce_max3A_162 = arith.constant dense<0xFF800000> : vector<64xf32>
    %reduce_max3A_163 = vector.multi_reduction <maximumf>, %select_n3A_161, %reduce_max3A_162 [1] : vector<64x2048xf32> to vector<64xf32>
    %broadcast_in_dim3A_164 = vector.shape_cast %reduce_max3A_163 : vector<64xf32> to vector<64x1xf32>
    %eq3A_165 = vector.broadcast %broadcast_in_dim3A_164 : vector<64x1xf32> to vector<64x2048xf32>
    %eq3A_166 = arith.cmpf oeq, %select_n3A_161, %eq3A_165 : vector<64x2048xf32>
    %jit3A_167 = arith.constant 2.048000e+03 : f32
    %broadcast_in_dim3A_168 = vector.broadcast %jit3A_167 : f32 to vector<64x2048xf32>
    %select_n3A_169 = arith.select %eq3A_166, %convert_element_type3A, %broadcast_in_dim3A_168 : vector<64x2048xi1>, vector<64x2048xf32>
    %reduce_min3A_170 = arith.constant dense<0x7F800000> : vector<64xf32>
    %reduce_min3A_171 = vector.multi_reduction <minimumf>, %select_n3A_169, %reduce_min3A_170 [1] : vector<64x2048xf32> to vector<64xf32>
    %broadcast_in_dim3A_172 = vector.shape_cast %reduce_min3A_171 : vector<64xf32> to vector<64x1xf32>
    %eq3A_173 = arith.constant 7 : i32
    %eq3A_174 = vector.broadcast %eq3A_173 : i32 to vector<64x8xi32>
    %eq3A_175 = arith.cmpi eq, %iota3A_2, %eq3A_174 : vector<64x8xi32>
    %broadcast_in_dim3A_176 = vector.shape_cast %broadcast_in_dim3A_172 : vector<64x1xf32> to vector<64x1xf32>
    %broadcast_in_dim3A_177 = vector.broadcast %broadcast_in_dim3A_176 : vector<64x1xf32> to vector<64x8xf32>
    %select_n3A_178 = arith.select %eq3A_175, %broadcast_in_dim3A_177, %select_n3A_156 : vector<64x8xi1>, vector<64x8xf32>
    %convert_element_type3A_179 = arith.fptosi %select_n3A_178 : vector<64x8xf32> to vector<64x8xi32>
    %swap3A = arith.constant 0 : index
    %swap3A_180 = arith.constant 0 : index
    %swap3A_181 = arith.constant 0 : index
    %swap3A_182 = vector.load %arg3[%swap3A, %swap3A_180, %swap3A_181] : memref<2x64x8xi32, #tpu.memory_space<vmem>>, vector<1x64x8xi32>
    %swap3A_183 = vector.shape_cast %swap3A_182 : vector<1x64x8xi32> to vector<64x8xi32>
    %swap3A_184 = vector.shape_cast %convert_element_type3A_179 : vector<64x8xi32> to vector<1x64x8xi32>
    tpu.vector_store %arg3[%swap3A, %swap3A_180, %swap3A_181], %swap3A_184 {strides = array<i32>} : memref<2x64x8xi32, #tpu.memory_space<vmem>>, vector<1x64x8xi32>,
    %tile3A = tpu.concatenate %convert_element_type3A_179, %convert_element_type3A_179, %convert_element_type3A_179, %convert_element_type3A_179, %convert_element_type3A_179, %convert_element_type3A_179, %convert_element_type3A_179, %convert_element_type3A_179, %convert_element_type3A_179, %convert_element_type3A_179, %convert_element_type3A_179, %convert_element_type3A_179, %convert_element_type3A_179, %convert_element_type3A_179, %convert_element_type3A_179, %convert_element_type3A_179, %convert_element_type3A_179, %convert_element_type3A_179, %convert_element_type3A_179, %convert_element_type3A_179, %convert_element_type3A_179, %convert_element_type3A_179, %convert_element_type3A_179, %convert_element_type3A_179, %convert_element_type3A_179, %convert_element_type3A_179, %convert_element_type3A_179, %convert_element_type3A_179, %convert_element_type3A_179, %convert_element_type3A_179, %convert_element_type3A_179, %convert_element_type3A_179, %convert_element_type3A_179, %convert_element_type3A_179, %convert_element_type3A_179, %convert_element_type3A_179, %convert_element_type3A_179, %convert_element_type3A_179, %convert_element_type3A_179, %convert_element_type3A_179, %convert_element_type3A_179, %convert_element_type3A_179, %convert_element_type3A_179, %convert_element_type3A_179, %convert_element_type3A_179, %convert_element_type3A_179, %convert_element_type3A_179, %convert_element_type3A_179, %convert_element_type3A_179, %convert_element_type3A_179, %convert_element_type3A_179, %convert_element_type3A_179, %convert_element_type3A_179, %convert_element_type3A_179, %convert_element_type3A_179, %convert_element_type3A_179, %convert_element_type3A_179, %convert_element_type3A_179, %convert_element_type3A_179, %convert_element_type3A_179, %convert_element_type3A_179, %convert_element_type3A_179, %convert_element_type3A_179, %convert_element_type3A_179 in 1 : vector<64x8xi32>, vector<64x8xi32>, vector<64x8xi32>, vector<64x8xi32>, vector<64x8xi32>, vector<64x8xi32>, vector<64x8xi32>, vector<64x8xi32>, vector<64x8xi32>, vector<64x8xi32>, vector<64x8xi32>, vector<64x8xi32>, vector<64x8xi32>, vector<64x8xi32>, vector<64x8xi32>, vector<64x8xi32>, vector<64x8xi32>, vector<64x8xi32>, vector<64x8xi32>, vector<64x8xi32>, vector<64x8xi32>, vector<64x8xi32>, vector<64x8xi32>, vector<64x8xi32>, vector<64x8xi32>, vector<64x8xi32>, vector<64x8xi32>, vector<64x8xi32>, vector<64x8xi32>, vector<64x8xi32>, vector<64x8xi32>, vector<64x8xi32>, vector<64x8xi32>, vector<64x8xi32>, vector<64x8xi32>, vector<64x8xi32>, vector<64x8xi32>, vector<64x8xi32>, vector<64x8xi32>, vector<64x8xi32>, vector<64x8xi32>, vector<64x8xi32>, vector<64x8xi32>, vector<64x8xi32>, vector<64x8xi32>, vector<64x8xi32>, vector<64x8xi32>, vector<64x8xi32>, vector<64x8xi32>, vector<64x8xi32>, vector<64x8xi32>, vector<64x8xi32>, vector<64x8xi32>, vector<64x8xi32>, vector<64x8xi32>, vector<64x8xi32>, vector<64x8xi32>, vector<64x8xi32>, vector<64x8xi32>, vector<64x8xi32>, vector<64x8xi32>, vector<64x8xi32>, vector<64x8xi32>, vector<64x8xi32> -> vector<64x512xi32>
    %shift_right_logical3A = arith.constant 3 : i32
    %shift_right_logical3A_185 = vector.broadcast %shift_right_logical3A : i32 to vector<64x512xi32>
    %shift_right_logical3A_186 = arith.shrui %iota3A_3, %shift_right_logical3A_185 : vector<64x512xi32>
    %eq3A_187 = arith.cmpi eq, %shift_right_logical3A_186, %iota3A_4 : vector<64x512xi32>
    %jit3A_188 = arith.constant 0 : i32
    %broadcast_in_dim3A_189 = vector.broadcast %jit3A_188 : i32 to vector<64x512xi32>
    %select_n3A_190 = arith.select %eq3A_187, %tile3A, %broadcast_in_dim3A_189 : vector<64x512xi1>, vector<64x512xi32>
    %reduce_sum3A = arith.constant dense<0> : vector<512xi32>
    %reduce_sum3A_191 = vector.multi_reduction <add>, %select_n3A_190, %reduce_sum3A [0] : vector<64x512xi32> to vector<512xi32>
    %broadcast_in_dim3A_192 = vector.shape_cast %reduce_sum3A_191 : vector<512xi32> to vector<1x512xi32>
    %mul3A = arith.constant 2 : i32
    %mul3A_193 = arith.muli %mul3A, %arg0 : i32
    %add3A = arith.constant 0 : i32
    %add3A_194 = arith.addi %mul3A_193, %add3A : i32
    %mul3A_195 = arith.constant 2048 : i32
    %mul3A_196 = arith.muli %add3A_194, %mul3A_195 : i32
    %add3A_197 = vector.broadcast %mul3A_196 : i32 to vector<1x512xi32>
    %add3A_198 = arith.addi %broadcast_in_dim3A_192, %add3A_197 : vector<1x512xi32>
    %swap3A_199 = arith.constant 0 : index
    %swap3A_200 = arith.constant 0 : index
    %swap3A_201 = arith.constant 0 : index
    %swap3A_202 = vector.load %arg4[%swap3A_199, %swap3A_200, %swap3A_201] : memref<2x1x512xi32, #tpu.memory_space<vmem>>, vector<1x1x512xi32>
    %swap3A_203 = vector.shape_cast %swap3A_202 : vector<1x1x512xi32> to vector<1x512xi32>
    %swap3A_204 = vector.shape_cast %add3A_198 : vector<1x512xi32> to vector<1x1x512xi32>
    tpu.vector_store %arg4[%swap3A_199, %swap3A_200, %swap3A_201], %swap3A_204 {strides = array<i32>} : memref<2x1x512xi32, #tpu.memory_space<vmem>>, vector<1x1x512xi32>,
    %get3A_205 = arith.constant 0 : index
    %get3A_206 = arith.constant 1 : index
    %get3A_207 = arith.constant 0 : index
    %get3A_208 = arith.constant 0 : index
    %get3A_209 = vector.load %arg2[%get3A_205, %get3A_206, %get3A_207, %get3A_208] : memref<1x2x2048x32xf32, #tpu.memory_space<vmem>>, vector<1x1x2048x32xf32>
    %get3A_210 = vector.shape_cast %get3A_209 : vector<1x1x2048x32xf32> to vector<2048x32xf32>
    %dot_general3A_211 = arith.constant dense<0.000000e+00> : vector<64x2048xf32>
    %dot_general3A_212 = tpu.matmul %get3A_1, %get3A_210, %dot_general3A_211 {dimension_numbers = #tpu.dot_dimension_numbers<[1], [1], [0], [0], [0, 0, 1, 0], [], []>, transpose_lhs_hint = false} : vector<64x32xf32>, vector<2048x32xf32>, vector<64x2048xf32> -> vector<64x2048xf32>
    %broadcast_in_dim3A_213 = arith.constant 0.000000e+00 : f32
    %broadcast_in_dim3A_214 = vector.broadcast %broadcast_in_dim3A_213 : f32 to vector<64x8xf32>
    %reduce_max3A_215 = arith.constant dense<0xFF800000> : vector<64xf32>
    %reduce_max3A_216 = vector.multi_reduction <maximumf>, %dot_general3A_212, %reduce_max3A_215 [1] : vector<64x2048xf32> to vector<64xf32>
    %broadcast_in_dim3A_217 = vector.shape_cast %reduce_max3A_216 : vector<64xf32> to vector<64x1xf32>
    %eq3A_218 = vector.broadcast %broadcast_in_dim3A_217 : vector<64x1xf32> to vector<64x2048xf32>
    %eq3A_219 = arith.cmpf oeq, %dot_general3A_212, %eq3A_218 : vector<64x2048xf32>
    %jit3A_220 = arith.constant 2.048000e+03 : f32
    %broadcast_in_dim3A_221 = vector.broadcast %jit3A_220 : f32 to vector<64x2048xf32>
    %select_n3A_222 = arith.select %eq3A_219, %convert_element_type3A, %broadcast_in_dim3A_221 : vector<64x2048xi1>, vector<64x2048xf32>
    %reduce_min3A_223 = arith.constant dense<0x7F800000> : vector<64xf32>
    %reduce_min3A_224 = vector.multi_reduction <minimumf>, %select_n3A_222, %reduce_min3A_223 [1] : vector<64x2048xf32> to vector<64xf32>
    %broadcast_in_dim3A_225 = vector.shape_cast %reduce_min3A_224 : vector<64xf32> to vector<64x1xf32>
    %eq3A_226 = arith.constant 0 : i32
    %eq3A_227 = vector.broadcast %eq3A_226 : i32 to vector<64x8xi32>
    %eq3A_228 = arith.cmpi eq, %iota3A_2, %eq3A_227 : vector<64x8xi32>
    %broadcast_in_dim3A_229 = vector.shape_cast %broadcast_in_dim3A_225 : vector<64x1xf32> to vector<64x1xf32>
    %broadcast_in_dim3A_230 = vector.broadcast %broadcast_in_dim3A_229 : vector<64x1xf32> to vector<64x8xf32>
    %select_n3A_231 = arith.select %eq3A_228, %broadcast_in_dim3A_230, %broadcast_in_dim3A_214 : vector<64x8xi1>, vector<64x8xf32>
    %eq3A_232 = vector.broadcast %broadcast_in_dim3A_225 : vector<64x1xf32> to vector<64x2048xf32>
    %eq3A_233 = arith.cmpf oeq, %convert_element_type3A, %eq3A_232 : vector<64x2048xf32>
    %jit3A_234 = arith.constant 0xFF800000 : f32
    %broadcast_in_dim3A_235 = vector.broadcast %jit3A_234 : f32 to vector<64x2048xf32>
    %select_n3A_236 = arith.select %eq3A_233, %broadcast_in_dim3A_235, %dot_general3A_212 : vector<64x2048xi1>, vector<64x2048xf32>
    %reduce_max3A_237 = arith.constant dense<0xFF800000> : vector<64xf32>
    %reduce_max3A_238 = vector.multi_reduction <maximumf>, %select_n3A_236, %reduce_max3A_237 [1] : vector<64x2048xf32> to vector<64xf32>
    %broadcast_in_dim3A_239 = vector.shape_cast %reduce_max3A_238 : vector<64xf32> to vector<64x1xf32>
    %eq3A_240 = vector.broadcast %broadcast_in_dim3A_239 : vector<64x1xf32> to vector<64x2048xf32>
    %eq3A_241 = arith.cmpf oeq, %select_n3A_236, %eq3A_240 : vector<64x2048xf32>
    %jit3A_242 = arith.constant 2.048000e+03 : f32
    %broadcast_in_dim3A_243 = vector.broadcast %jit3A_242 : f32 to vector<64x2048xf32>
    %select_n3A_244 = arith.select %eq3A_241, %convert_element_type3A, %broadcast_in_dim3A_243 : vector<64x2048xi1>, vector<64x2048xf32>
    %reduce_min3A_245 = arith.constant dense<0x7F800000> : vector<64xf32>
    %reduce_min3A_246 = vector.multi_reduction <minimumf>, %select_n3A_244, %reduce_min3A_245 [1] : vector<64x2048xf32> to vector<64xf32>
    %broadcast_in_dim3A_247 = vector.shape_cast %reduce_min3A_246 : vector<64xf32> to vector<64x1xf32>
    %eq3A_248 = arith.constant 1 : i32
    %eq3A_249 = vector.broadcast %eq3A_248 : i32 to vector<64x8xi32>
    %eq3A_250 = arith.cmpi eq, %iota3A_2, %eq3A_249 : vector<64x8xi32>
    %broadcast_in_dim3A_251 = vector.shape_cast %broadcast_in_dim3A_247 : vector<64x1xf32> to vector<64x1xf32>
    %broadcast_in_dim3A_252 = vector.broadcast %broadcast_in_dim3A_251 : vector<64x1xf32> to vector<64x8xf32>
    %select_n3A_253 = arith.select %eq3A_250, %broadcast_in_dim3A_252, %select_n3A_231 : vector<64x8xi1>, vector<64x8xf32>
    %eq3A_254 = vector.broadcast %broadcast_in_dim3A_247 : vector<64x1xf32> to vector<64x2048xf32>
    %eq3A_255 = arith.cmpf oeq, %convert_element_type3A, %eq3A_254 : vector<64x2048xf32>
    %jit3A_256 = arith.constant 0xFF800000 : f32
    %broadcast_in_dim3A_257 = vector.broadcast %jit3A_256 : f32 to vector<64x2048xf32>
    %select_n3A_258 = arith.select %eq3A_255, %broadcast_in_dim3A_257, %select_n3A_236 : vector<64x2048xi1>, vector<64x2048xf32>
    %reduce_max3A_259 = arith.constant dense<0xFF800000> : vector<64xf32>
    %reduce_max3A_260 = vector.multi_reduction <maximumf>, %select_n3A_258, %reduce_max3A_259 [1] : vector<64x2048xf32> to vector<64xf32>
    %broadcast_in_dim3A_261 = vector.shape_cast %reduce_max3A_260 : vector<64xf32> to vector<64x1xf32>
    %eq3A_262 = vector.broadcast %broadcast_in_dim3A_261 : vector<64x1xf32> to vector<64x2048xf32>
    %eq3A_263 = arith.cmpf oeq, %select_n3A_258, %eq3A_262 : vector<64x2048xf32>
    %jit3A_264 = arith.constant 2.048000e+03 : f32
    %broadcast_in_dim3A_265 = vector.broadcast %jit3A_264 : f32 to vector<64x2048xf32>
    %select_n3A_266 = arith.select %eq3A_263, %convert_element_type3A, %broadcast_in_dim3A_265 : vector<64x2048xi1>, vector<64x2048xf32>
    %reduce_min3A_267 = arith.constant dense<0x7F800000> : vector<64xf32>
    %reduce_min3A_268 = vector.multi_reduction <minimumf>, %select_n3A_266, %reduce_min3A_267 [1] : vector<64x2048xf32> to vector<64xf32>
    %broadcast_in_dim3A_269 = vector.shape_cast %reduce_min3A_268 : vector<64xf32> to vector<64x1xf32>
    %eq3A_270 = arith.constant 2 : i32
    %eq3A_271 = vector.broadcast %eq3A_270 : i32 to vector<64x8xi32>
    %eq3A_272 = arith.cmpi eq, %iota3A_2, %eq3A_271 : vector<64x8xi32>
    %broadcast_in_dim3A_273 = vector.shape_cast %broadcast_in_dim3A_269 : vector<64x1xf32> to vector<64x1xf32>
    %broadcast_in_dim3A_274 = vector.broadcast %broadcast_in_dim3A_273 : vector<64x1xf32> to vector<64x8xf32>
    %select_n3A_275 = arith.select %eq3A_272, %broadcast_in_dim3A_274, %select_n3A_253 : vector<64x8xi1>, vector<64x8xf32>
    %eq3A_276 = vector.broadcast %broadcast_in_dim3A_269 : vector<64x1xf32> to vector<64x2048xf32>
    %eq3A_277 = arith.cmpf oeq, %convert_element_type3A, %eq3A_276 : vector<64x2048xf32>
    %jit3A_278 = arith.constant 0xFF800000 : f32
    %broadcast_in_dim3A_279 = vector.broadcast %jit3A_278 : f32 to vector<64x2048xf32>
    %select_n3A_280 = arith.select %eq3A_277, %broadcast_in_dim3A_279, %select_n3A_258 : vector<64x2048xi1>, vector<64x2048xf32>
    %reduce_max3A_281 = arith.constant dense<0xFF800000> : vector<64xf32>
    %reduce_max3A_282 = vector.multi_reduction <maximumf>, %select_n3A_280, %reduce_max3A_281 [1] : vector<64x2048xf32> to vector<64xf32>
    %broadcast_in_dim3A_283 = vector.shape_cast %reduce_max3A_282 : vector<64xf32> to vector<64x1xf32>
    %eq3A_284 = vector.broadcast %broadcast_in_dim3A_283 : vector<64x1xf32> to vector<64x2048xf32>
    %eq3A_285 = arith.cmpf oeq, %select_n3A_280, %eq3A_284 : vector<64x2048xf32>
    %jit3A_286 = arith.constant 2.048000e+03 : f32
    %broadcast_in_dim3A_287 = vector.broadcast %jit3A_286 : f32 to vector<64x2048xf32>
    %select_n3A_288 = arith.select %eq3A_285, %convert_element_type3A, %broadcast_in_dim3A_287 : vector<64x2048xi1>, vector<64x2048xf32>
    %reduce_min3A_289 = arith.constant dense<0x7F800000> : vector<64xf32>
    %reduce_min3A_290 = vector.multi_reduction <minimumf>, %select_n3A_288, %reduce_min3A_289 [1] : vector<64x2048xf32> to vector<64xf32>
    %broadcast_in_dim3A_291 = vector.shape_cast %reduce_min3A_290 : vector<64xf32> to vector<64x1xf32>
    %eq3A_292 = arith.constant 3 : i32
    %eq3A_293 = vector.broadcast %eq3A_292 : i32 to vector<64x8xi32>
    %eq3A_294 = arith.cmpi eq, %iota3A_2, %eq3A_293 : vector<64x8xi32>
    %broadcast_in_dim3A_295 = vector.shape_cast %broadcast_in_dim3A_291 : vector<64x1xf32> to vector<64x1xf32>
    %broadcast_in_dim3A_296 = vector.broadcast %broadcast_in_dim3A_295 : vector<64x1xf32> to vector<64x8xf32>
    %select_n3A_297 = arith.select %eq3A_294, %broadcast_in_dim3A_296, %select_n3A_275 : vector<64x8xi1>, vector<64x8xf32>
    %eq3A_298 = vector.broadcast %broadcast_in_dim3A_291 : vector<64x1xf32> to vector<64x2048xf32>
    %eq3A_299 = arith.cmpf oeq, %convert_element_type3A, %eq3A_298 : vector<64x2048xf32>
    %jit3A_300 = arith.constant 0xFF800000 : f32
    %broadcast_in_dim3A_301 = vector.broadcast %jit3A_300 : f32 to vector<64x2048xf32>
    %select_n3A_302 = arith.select %eq3A_299, %broadcast_in_dim3A_301, %select_n3A_280 : vector<64x2048xi1>, vector<64x2048xf32>
    %reduce_max3A_303 = arith.constant dense<0xFF800000> : vector<64xf32>
    %reduce_max3A_304 = vector.multi_reduction <maximumf>, %select_n3A_302, %reduce_max3A_303 [1] : vector<64x2048xf32> to vector<64xf32>
    %broadcast_in_dim3A_305 = vector.shape_cast %reduce_max3A_304 : vector<64xf32> to vector<64x1xf32>
    %eq3A_306 = vector.broadcast %broadcast_in_dim3A_305 : vector<64x1xf32> to vector<64x2048xf32>
    %eq3A_307 = arith.cmpf oeq, %select_n3A_302, %eq3A_306 : vector<64x2048xf32>
    %jit3A_308 = arith.constant 2.048000e+03 : f32
    %broadcast_in_dim3A_309 = vector.broadcast %jit3A_308 : f32 to vector<64x2048xf32>
    %select_n3A_310 = arith.select %eq3A_307, %convert_element_type3A, %broadcast_in_dim3A_309 : vector<64x2048xi1>, vector<64x2048xf32>
    %reduce_min3A_311 = arith.constant dense<0x7F800000> : vector<64xf32>
    %reduce_min3A_312 = vector.multi_reduction <minimumf>, %select_n3A_310, %reduce_min3A_311 [1] : vector<64x2048xf32> to vector<64xf32>
    %broadcast_in_dim3A_313 = vector.shape_cast %reduce_min3A_312 : vector<64xf32> to vector<64x1xf32>
    %eq3A_314 = arith.constant 4 : i32
    %eq3A_315 = vector.broadcast %eq3A_314 : i32 to vector<64x8xi32>
    %eq3A_316 = arith.cmpi eq, %iota3A_2, %eq3A_315 : vector<64x8xi32>
    %broadcast_in_dim3A_317 = vector.shape_cast %broadcast_in_dim3A_313 : vector<64x1xf32> to vector<64x1xf32>
    %broadcast_in_dim3A_318 = vector.broadcast %broadcast_in_dim3A_317 : vector<64x1xf32> to vector<64x8xf32>
    %select_n3A_319 = arith.select %eq3A_316, %broadcast_in_dim3A_318, %select_n3A_297 : vector<64x8xi1>, vector<64x8xf32>
    %eq3A_320 = vector.broadcast %broadcast_in_dim3A_313 : vector<64x1xf32> to vector<64x2048xf32>
    %eq3A_321 = arith.cmpf oeq, %convert_element_type3A, %eq3A_320 : vector<64x2048xf32>
    %jit3A_322 = arith.constant 0xFF800000 : f32
    %broadcast_in_dim3A_323 = vector.broadcast %jit3A_322 : f32 to vector<64x2048xf32>
    %select_n3A_324 = arith.select %eq3A_321, %broadcast_in_dim3A_323, %select_n3A_302 : vector<64x2048xi1>, vector<64x2048xf32>
    %reduce_max3A_325 = arith.constant dense<0xFF800000> : vector<64xf32>
    %reduce_max3A_326 = vector.multi_reduction <maximumf>, %select_n3A_324, %reduce_max3A_325 [1] : vector<64x2048xf32> to vector<64xf32>
    %broadcast_in_dim3A_327 = vector.shape_cast %reduce_max3A_326 : vector<64xf32> to vector<64x1xf32>
    %eq3A_328 = vector.broadcast %broadcast_in_dim3A_327 : vector<64x1xf32> to vector<64x2048xf32>
    %eq3A_329 = arith.cmpf oeq, %select_n3A_324, %eq3A_328 : vector<64x2048xf32>
    %jit3A_330 = arith.constant 2.048000e+03 : f32
    %broadcast_in_dim3A_331 = vector.broadcast %jit3A_330 : f32 to vector<64x2048xf32>
    %select_n3A_332 = arith.select %eq3A_329, %convert_element_type3A, %broadcast_in_dim3A_331 : vector<64x2048xi1>, vector<64x2048xf32>
    %reduce_min3A_333 = arith.constant dense<0x7F800000> : vector<64xf32>
    %reduce_min3A_334 = vector.multi_reduction <minimumf>, %select_n3A_332, %reduce_min3A_333 [1] : vector<64x2048xf32> to vector<64xf32>
    %broadcast_in_dim3A_335 = vector.shape_cast %reduce_min3A_334 : vector<64xf32> to vector<64x1xf32>
    %eq3A_336 = arith.constant 5 : i32
    %eq3A_337 = vector.broadcast %eq3A_336 : i32 to vector<64x8xi32>
    %eq3A_338 = arith.cmpi eq, %iota3A_2, %eq3A_337 : vector<64x8xi32>
    %broadcast_in_dim3A_339 = vector.shape_cast %broadcast_in_dim3A_335 : vector<64x1xf32> to vector<64x1xf32>
    %broadcast_in_dim3A_340 = vector.broadcast %broadcast_in_dim3A_339 : vector<64x1xf32> to vector<64x8xf32>
    %select_n3A_341 = arith.select %eq3A_338, %broadcast_in_dim3A_340, %select_n3A_319 : vector<64x8xi1>, vector<64x8xf32>
    %eq3A_342 = vector.broadcast %broadcast_in_dim3A_335 : vector<64x1xf32> to vector<64x2048xf32>
    %eq3A_343 = arith.cmpf oeq, %convert_element_type3A, %eq3A_342 : vector<64x2048xf32>
    %jit3A_344 = arith.constant 0xFF800000 : f32
    %broadcast_in_dim3A_345 = vector.broadcast %jit3A_344 : f32 to vector<64x2048xf32>
    %select_n3A_346 = arith.select %eq3A_343, %broadcast_in_dim3A_345, %select_n3A_324 : vector<64x2048xi1>, vector<64x2048xf32>
    %reduce_max3A_347 = arith.constant dense<0xFF800000> : vector<64xf32>
    %reduce_max3A_348 = vector.multi_reduction <maximumf>, %select_n3A_346, %reduce_max3A_347 [1] : vector<64x2048xf32> to vector<64xf32>
    %broadcast_in_dim3A_349 = vector.shape_cast %reduce_max3A_348 : vector<64xf32> to vector<64x1xf32>
    %eq3A_350 = vector.broadcast %broadcast_in_dim3A_349 : vector<64x1xf32> to vector<64x2048xf32>
    %eq3A_351 = arith.cmpf oeq, %select_n3A_346, %eq3A_350 : vector<64x2048xf32>
    %jit3A_352 = arith.constant 2.048000e+03 : f32
    %broadcast_in_dim3A_353 = vector.broadcast %jit3A_352 : f32 to vector<64x2048xf32>
    %select_n3A_354 = arith.select %eq3A_351, %convert_element_type3A, %broadcast_in_dim3A_353 : vector<64x2048xi1>, vector<64x2048xf32>
    %reduce_min3A_355 = arith.constant dense<0x7F800000> : vector<64xf32>
    %reduce_min3A_356 = vector.multi_reduction <minimumf>, %select_n3A_354, %reduce_min3A_355 [1] : vector<64x2048xf32> to vector<64xf32>
    %broadcast_in_dim3A_357 = vector.shape_cast %reduce_min3A_356 : vector<64xf32> to vector<64x1xf32>
    %eq3A_358 = arith.constant 6 : i32
    %eq3A_359 = vector.broadcast %eq3A_358 : i32 to vector<64x8xi32>
    %eq3A_360 = arith.cmpi eq, %iota3A_2, %eq3A_359 : vector<64x8xi32>
    %broadcast_in_dim3A_361 = vector.shape_cast %broadcast_in_dim3A_357 : vector<64x1xf32> to vector<64x1xf32>
    %broadcast_in_dim3A_362 = vector.broadcast %broadcast_in_dim3A_361 : vector<64x1xf32> to vector<64x8xf32>
    %select_n3A_363 = arith.select %eq3A_360, %broadcast_in_dim3A_362, %select_n3A_341 : vector<64x8xi1>, vector<64x8xf32>
    %eq3A_364 = vector.broadcast %broadcast_in_dim3A_357 : vector<64x1xf32> to vector<64x2048xf32>
    %eq3A_365 = arith.cmpf oeq, %convert_element_type3A, %eq3A_364 : vector<64x2048xf32>
    %jit3A_366 = arith.constant 0xFF800000 : f32
    %broadcast_in_dim3A_367 = vector.broadcast %jit3A_366 : f32 to vector<64x2048xf32>
    %select_n3A_368 = arith.select %eq3A_365, %broadcast_in_dim3A_367, %select_n3A_346 : vector<64x2048xi1>, vector<64x2048xf32>
    %reduce_max3A_369 = arith.constant dense<0xFF800000> : vector<64xf32>
    %reduce_max3A_370 = vector.multi_reduction <maximumf>, %select_n3A_368, %reduce_max3A_369 [1] : vector<64x2048xf32> to vector<64xf32>
    %broadcast_in_dim3A_371 = vector.shape_cast %reduce_max3A_370 : vector<64xf32> to vector<64x1xf32>
    %eq3A_372 = vector.broadcast %broadcast_in_dim3A_371 : vector<64x1xf32> to vector<64x2048xf32>
    %eq3A_373 = arith.cmpf oeq, %select_n3A_368, %eq3A_372 : vector<64x2048xf32>
    %jit3A_374 = arith.constant 2.048000e+03 : f32
    %broadcast_in_dim3A_375 = vector.broadcast %jit3A_374 : f32 to vector<64x2048xf32>
    %select_n3A_376 = arith.select %eq3A_373, %convert_element_type3A, %broadcast_in_dim3A_375 : vector<64x2048xi1>, vector<64x2048xf32>
    %reduce_min3A_377 = arith.constant dense<0x7F800000> : vector<64xf32>
    %reduce_min3A_378 = vector.multi_reduction <minimumf>, %select_n3A_376, %reduce_min3A_377 [1] : vector<64x2048xf32> to vector<64xf32>
    %broadcast_in_dim3A_379 = vector.shape_cast %reduce_min3A_378 : vector<64xf32> to vector<64x1xf32>
    %eq3A_380 = arith.constant 7 : i32
    %eq3A_381 = vector.broadcast %eq3A_380 : i32 to vector<64x8xi32>
    %eq3A_382 = arith.cmpi eq, %iota3A_2, %eq3A_381 : vector<64x8xi32>
    %broadcast_in_dim3A_383 = vector.shape_cast %broadcast_in_dim3A_379 : vector<64x1xf32> to vector<64x1xf32>
    %broadcast_in_dim3A_384 = vector.broadcast %broadcast_in_dim3A_383 : vector<64x1xf32> to vector<64x8xf32>
    %select_n3A_385 = arith.select %eq3A_382, %broadcast_in_dim3A_384, %select_n3A_363 : vector<64x8xi1>, vector<64x8xf32>
    %convert_element_type3A_386 = arith.fptosi %select_n3A_385 : vector<64x8xf32> to vector<64x8xi32>
    %swap3A_387 = arith.constant 1 : index
    %swap3A_388 = arith.constant 0 : index
    %swap3A_389 = arith.constant 0 : index
    %swap3A_390 = vector.load %arg3[%swap3A_387, %swap3A_388, %swap3A_389] : memref<2x64x8xi32, #tpu.memory_space<vmem>>, vector<1x64x8xi32>
    %swap3A_391 = vector.shape_cast %swap3A_390 : vector<1x64x8xi32> to vector<64x8xi32>
    %swap3A_392 = vector.shape_cast %convert_element_type3A_386 : vector<64x8xi32> to vector<1x64x8xi32>
    tpu.vector_store %arg3[%swap3A_387, %swap3A_388, %swap3A_389], %swap3A_392 {strides = array<i32>} : memref<2x64x8xi32, #tpu.memory_space<vmem>>, vector<1x64x8xi32>,
    %tile3A_393 = tpu.concatenate %convert_element_type3A_386, %convert_element_type3A_386, %convert_element_type3A_386, %convert_element_type3A_386, %convert_element_type3A_386, %convert_element_type3A_386, %convert_element_type3A_386, %convert_element_type3A_386, %convert_element_type3A_386, %convert_element_type3A_386, %convert_element_type3A_386, %convert_element_type3A_386, %convert_element_type3A_386, %convert_element_type3A_386, %convert_element_type3A_386, %convert_element_type3A_386, %convert_element_type3A_386, %convert_element_type3A_386, %convert_element_type3A_386, %convert_element_type3A_386, %convert_element_type3A_386, %convert_element_type3A_386, %convert_element_type3A_386, %convert_element_type3A_386, %convert_element_type3A_386, %convert_element_type3A_386, %convert_element_type3A_386, %convert_element_type3A_386, %convert_element_type3A_386, %convert_element_type3A_386, %convert_element_type3A_386, %convert_element_type3A_386, %convert_element_type3A_386, %convert_element_type3A_386, %convert_element_type3A_386, %convert_element_type3A_386, %convert_element_type3A_386, %convert_element_type3A_386, %convert_element_type3A_386, %convert_element_type3A_386, %convert_element_type3A_386, %convert_element_type3A_386, %convert_element_type3A_386, %convert_element_type3A_386, %convert_element_type3A_386, %convert_element_type3A_386, %convert_element_type3A_386, %convert_element_type3A_386, %convert_element_type3A_386, %convert_element_type3A_386, %convert_element_type3A_386, %convert_element_type3A_386, %convert_element_type3A_386, %convert_element_type3A_386, %convert_element_type3A_386, %convert_element_type3A_386, %convert_element_type3A_386, %convert_element_type3A_386, %convert_element_type3A_386, %convert_element_type3A_386, %convert_element_type3A_386, %convert_element_type3A_386, %convert_element_type3A_386, %convert_element_type3A_386 in 1 : vector<64x8xi32>, vector<64x8xi32>, vector<64x8xi32>, vector<64x8xi32>, vector<64x8xi32>, vector<64x8xi32>, vector<64x8xi32>, vector<64x8xi32>, vector<64x8xi32>, vector<64x8xi32>, vector<64x8xi32>, vector<64x8xi32>, vector<64x8xi32>, vector<64x8xi32>, vector<64x8xi32>, vector<64x8xi32>, vector<64x8xi32>, vector<64x8xi32>, vector<64x8xi32>, vector<64x8xi32>, vector<64x8xi32>, vector<64x8xi32>, vector<64x8xi32>, vector<64x8xi32>, vector<64x8xi32>, vector<64x8xi32>, vector<64x8xi32>, vector<64x8xi32>, vector<64x8xi32>, vector<64x8xi32>, vector<64x8xi32>, vector<64x8xi32>, vector<64x8xi32>, vector<64x8xi32>, vector<64x8xi32>, vector<64x8xi32>, vector<64x8xi32>, vector<64x8xi32>, vector<64x8xi32>, vector<64x8xi32>, vector<64x8xi32>, vector<64x8xi32>, vector<64x8xi32>, vector<64x8xi32>, vector<64x8xi32>, vector<64x8xi32>, vector<64x8xi32>, vector<64x8xi32>, vector<64x8xi32>, vector<64x8xi32>, vector<64x8xi32>, vector<64x8xi32>, vector<64x8xi32>, vector<64x8xi32>, vector<64x8xi32>, vector<64x8xi32>, vector<64x8xi32>, vector<64x8xi32>, vector<64x8xi32>, vector<64x8xi32>, vector<64x8xi32>, vector<64x8xi32>, vector<64x8xi32>, vector<64x8xi32> -> vector<64x512xi32>
    %shift_right_logical3A_394 = arith.constant 3 : i32
    %shift_right_logical3A_395 = vector.broadcast %shift_right_logical3A_394 : i32 to vector<64x512xi32>
    %shift_right_logical3A_396 = arith.shrui %iota3A_3, %shift_right_logical3A_395 : vector<64x512xi32>
    %eq3A_397 = arith.cmpi eq, %shift_right_logical3A_396, %iota3A_4 : vector<64x512xi32>
    %jit3A_398 = arith.constant 0 : i32
    %broadcast_in_dim3A_399 = vector.broadcast %jit3A_398 : i32 to vector<64x512xi32>
    %select_n3A_400 = arith.select %eq3A_397, %tile3A_393, %broadcast_in_dim3A_399 : vector<64x512xi1>, vector<64x512xi32>
    %reduce_sum3A_401 = arith.constant dense<0> : vector<512xi32>
    %reduce_sum3A_402 = vector.multi_reduction <add>, %select_n3A_400, %reduce_sum3A_401 [0] : vector<64x512xi32> to vector<512xi32>
    %broadcast_in_dim3A_403 = vector.shape_cast %reduce_sum3A_402 : vector<512xi32> to vector<1x512xi32>
    %mul3A_404 = arith.constant 2 : i32
    %mul3A_405 = arith.muli %mul3A_404, %arg0 : i32
    %add3A_406 = arith.constant 1 : i32
    %add3A_407 = arith.addi %mul3A_405, %add3A_406 : i32
    %mul3A_408 = arith.constant 2048 : i32
    %mul3A_409 = arith.muli %add3A_407, %mul3A_408 : i32
    %add3A_410 = vector.broadcast %mul3A_409 : i32 to vector<1x512xi32>
    %add3A_411 = arith.addi %broadcast_in_dim3A_403, %add3A_410 : vector<1x512xi32>
    %swap3A_412 = arith.constant 1 : index
    %swap3A_413 = arith.constant 0 : index
    %swap3A_414 = arith.constant 0 : index
    %swap3A_415 = vector.load %arg4[%swap3A_412, %swap3A_413, %swap3A_414] : memref<2x1x512xi32, #tpu.memory_space<vmem>>, vector<1x1x512xi32>
    %swap3A_416 = vector.shape_cast %swap3A_415 : vector<1x1x512xi32> to vector<1x512xi32>
    %swap3A_417 = vector.shape_cast %add3A_411 : vector<1x512xi32> to vector<1x1x512xi32>
    tpu.vector_store %arg4[%swap3A_412, %swap3A_413, %swap3A_414], %swap3A_417 {strides = array<i32>} : memref<2x1x512xi32, #tpu.memory_space<vmem>>, vector<1x1x512xi32>,
    return
  }
  func.func @transform_0(%arg0: i32) -> (i32, i32) {
    %c0_i32 = arith.constant 0 : i32
    %c0_i32_0 = arith.constant 0 : i32
    %c0_i32_1 = arith.constant 0 : i32
    return %c0_i32, %c0_i32_0 : i32, i32
  }
  func.func @transform_1(%arg0: i32) -> (i32, i32, i32, i32) {
    %jit3A = arith.constant 6 : i32
    %div3A = arith.divsi %arg0, %jit3A : i32
    %sign3A = arith.constant 0 : i32
    %sign3A_0 = arith.cmpi sgt, %arg0, %sign3A : i32
    %sign3A_1 = arith.extui %sign3A_0 : i1 to i32
    %sign3A_2 = arith.constant 0 : i32
    %sign3A_3 = arith.cmpi slt, %arg0, %sign3A_2 : i32
    %sign3A_4 = arith.extui %sign3A_3 : i1 to i32
    %sign3A_5 = arith.subi %sign3A_1, %sign3A_4 : i32
    %sign3A_6 = arith.constant 0 : i32
    %sign3A_7 = arith.cmpi sgt, %jit3A, %sign3A_6 : i32
    %sign3A_8 = arith.extui %sign3A_7 : i1 to i32
    %sign3A_9 = arith.constant 0 : i32
    %sign3A_10 = arith.cmpi slt, %jit3A, %sign3A_9 : i32
    %sign3A_11 = arith.extui %sign3A_10 : i1 to i32
    %sign3A_12 = arith.subi %sign3A_8, %sign3A_11 : i32
    %ne3A = arith.cmpi ne, %sign3A_5, %sign3A_12 : i32
    %rem3A = arith.remsi %arg0, %jit3A : i32
    %ne3A_13 = arith.constant 0 : i32
    %ne3A_14 = arith.cmpi ne, %rem3A, %ne3A_13 : i32
    %and3A = arith.andi %ne3A, %ne3A_14 : i1
    %sub3A = arith.constant 1 : i32
    %sub3A_15 = arith.subi %div3A, %sub3A : i32
    %select_n3A = arith.select %and3A, %sub3A_15, %div3A : i32
    %jit3A_16 = arith.constant 6 : i32
    %eq3A = arith.constant 0 : i32
    %eq3A_17 = arith.cmpi eq, %jit3A_16, %eq3A : i32
    %jit3A_18 = arith.constant 1 : i32
    %select_n3A_19 = arith.select %eq3A_17, %jit3A_18, %jit3A_16 : i32
    %rem3A_20 = arith.remsi %arg0, %select_n3A_19 : i32
    %ne3A_21 = arith.constant 0 : i32
    %ne3A_22 = arith.cmpi ne, %rem3A_20, %ne3A_21 : i32
    %lt3A = arith.constant 0 : i32
    %lt3A_23 = arith.cmpi slt, %rem3A_20, %lt3A : i32
    %lt3A_24 = arith.constant 0 : i32
    %lt3A_25 = arith.cmpi slt, %select_n3A_19, %lt3A_24 : i32
    %ne3A_26 = arith.xori %lt3A_23, %lt3A_25 : i1
    %and3A_27 = arith.andi %ne3A_26, %ne3A_22 : i1
    %add3A = arith.addi %rem3A_20, %select_n3A_19 : i32
    %select_n3A_28 = arith.select %and3A_27, %add3A, %rem3A_20 : i32
    %c0_i32 = arith.constant 0 : i32
    %c0_i32_29 = arith.constant 0 : i32
    %c0_i32_30 = arith.constant 0 : i32
    return %select_n3A, %select_n3A_28, %c0_i32, %c0_i32_29 : i32, i32, i32, i32
  }
  func.func @transform_2(%arg0: i32) -> (i32, i32, i32) {
    %c0_i32 = arith.constant 0 : i32
    %c0_i32_0 = arith.constant 0 : i32
    %c0_i32_1 = arith.constant 0 : i32
    return %arg0, %c0_i32, %c0_i32_0 : i32, i32, i32
  }
  func.func @transform_3(%arg0: i32) -> (i32, i32, i32) {
    %c0_i32 = arith.constant 0 : i32
    %c0_i32_0 = arith.constant 0 : i32
    %c0_i32_1 = arith.constant 0 : i32
    return %arg0, %c0_i32, %c0_i32_0 : i32, i32, i32
  }
}

</mosaic_0001>

<sc_bundles>
// kernel: kernel.4.cloned.1.call-start
scs
__scs_entry_jumppad:
0x0: {  	(pc) =	sbr.rel $0x88, $3  }
0x1: {  	(tag) =	ssettag $0x0;
	lr =	simm.s32 $0x1  }
0x2: {  	[smem:$0x3F9D] =	sst lr;
	_ =	strace $0xD0000000  }
0x3: {  	_ = 	snop  }
0x4: {  	_ = 	snop  }
0x5: {  	_ = 	snop  }
0x6: {  	_ = 	snop  }
0x7: {  	_ = 	snop  }
__scs_overlays_trampoline_lowered:
0x8: {  	[smem:$0x3FAC] =	sst s0  }
0x9: {  	[smem:$0x3FAD] =	sst s1  }
0xa: {  	[smem:$0x3FAE] =	sst s2  }
0xb: {  	[smem:$0x3FAF] =	sst s3  }
0xc: {  	[smem:$0x3FB0] =	sst s4  }
0xd: {  	[smem:$0x3FB1] =	sst s5  }
0xe: {  	[smem:$0x3FB2] =	sst s6  }
0xf: {  	[smem:$0x3FB3] =	sst s7  }
0x10: {  	[smem:$0x3FB4] =	sst s8  }
0x11: {  	[smem:$0x3FB5] =	sst s9;
	s0 =	simm.s32 @!p0 $0x0  }
0x12: {  	s1 =	sld [smem:$0x3F9B];
	s0 =	simm.s32 @p0 $0x1  }
0x13: {  	[smem:$0x3FB6] =	sst s0;
	s0 =	simm.s32 @!p1 $0x0  }
0x14: {  	s2 =	sld [smem:$0x3F9A];
	s0 =	simm.s32 @p1 $0x1  }
0x15: {  	[smem:$0x3FB7] =	sst s0;
	s0 =	simm.s32 @!p2 $0x0  }
0x16: {  	s3 =	sld [smem:$0x3FDB];
	s0 =	simm.s32 @p2 $0x1  }
0x17: {  	s4 =	simm.s32 $0x1BF5;
	[smem:$0x3FB9] =	sst s0  }
0x18: {  	s0 =	sld [smem:$0x3F9C];
	_ =	swait.ge [sflag:s4], $0x0  }
0x19: {  	s7 =	sld [smem:$0x3F9D]  }
0x1a: {  	s8 =	sadd.s32 $0xFFFFE003, lr  }
0x1b: {  	s9 =	sadd.s32 $0xFFFFFEF7, lr;
	s5 =	simm.s32 $0xFFFFFFFF;
	p2 =	slt.u32 s8, $0xFFFFF086  }
0x1c: {  	p1 =	slt.u32 s9, $0xF7A;
	s5 =	simm.s32 @!p2 $0x0  }
0x1d: {  	s5 =	simm.s32 @p1 $0x1;
	p0 =	seq.s32 s7, s2  }
0x1e: {  	s7 =	smul.u32 @!p0 $0xF7A, s2;
	p2 =	seq.s32 @!p0 s5, $0x0  }
0x1f: {  	s9 =	smul.u32 $0xF7A, s1;
	s8 =	simm.s32 @!p0 $0x1BF5;
	p2 =	por !p2, p0  }
0x20: {  	[sflag:s8] =	ssyncset.s32 @!p0 $0xFFFFF086;
	s6 =	sadd.s32 @!p0 s3, s7;
	s7 =	simm.s32 @!p0 $0x108  }
0x21: {  	s3 =	sadd.s32 s3, s9;
	s6 =	sadd.s32 @!p0 $0x88, s6;
	s7 =	simm.s32 @p2 $0x1082  }
0x22: {  	[simem:s7], [sflag:s8] =	dma.local @!p0 [hbm:s6], $0xF7A  }
0x23: {  	s9 =	sor.u32 $0xD0000000, s2;
	s6 =	simm.s32 $0x108;
	_ =	swait.ge @!p0 [sflag:s8], $0x0  }
0x24: {  	s3 =	sadd.s32 $0x88, s3;
	s6 =	simm.s32 @!p1 $0x1082;
	[sflag:s4] =	ssyncset.s32 $0xFFFFF086  }
0x25: {  	[simem:s6], [sflag:s4] =	dma.local [hbm:s3], $0xF7A  }
0x26: {  	[smem:$0x3F9D] =	sst s1;
	(tag) =	ssettag s2;
	_ =	strace s9  }
0x27: {  	s1 =	sld [smem:$0x3FAD]  }
0x28: {  	s2 =	sld [smem:$0x3FAE]  }
0x29: {  	s4 =	sld [smem:$0x3FB0]  }
0x2a: {  	p0 =	seq.s32 s5, $0x0;
	s5 =	sld [smem:$0x3FB1]  }
0x2b: {  	s6 =	sld [smem:$0x3FB2]  }
0x2c: {  	s7 =	sld [smem:$0x3FB3]  }
0x2d: {  	s3 =	simm.s32 $0x108;
	s8 =	sld [smem:$0x3FB4]  }
0x2e: {  	s3 =	simm.s32 @!p0 $0x1082;
	s9 =	sld [smem:$0x3FB5]  }
0x2f: {  	lr =	sadd.s32 s0, s3;
	s0 =	sld [smem:$0x3FAC]  }
0x30: {  	s3 =	sld [smem:$0x3FAF]  }
0x31: {  	[smem:$0x3FB8] =	sst s10  }
0x32: {  	s10 =	sld [smem:$0x3FB6];
	_ =	sdelay $0x3  }
0x33: {  	p0 =	seq.s32 s10, $0x1;
	s10 =	sld [smem:$0x3FB8];
	_ =	sdelay $0x3  }
0x34: {  	[smem:$0x3FB8] =	sst s10  }
0x35: {  	s10 =	sld [smem:$0x3FB7];
	_ =	sdelay $0x3  }
0x36: {  	p1 =	seq.s32 s10, $0x1;
	s10 =	sld [smem:$0x3FB8];
	_ =	sdelay $0x3  }
0x37: {  	[smem:$0x3FB8] =	sst s10  }
0x38: {  	s10 =	sld [smem:$0x3FB9]  }
0x39: {  	_ = 	snop;
	(pc) =	sbr.ind lr, $3  }
0x3a: {  	_ = 	snop  }
0x3b: {  	_ = 	snop  }
0x3c: {  	p2 =	seq.s32 s10, $0x1;
	s10 =	sld [smem:$0x3FB8]  }
0x3d: {  	_ =	shalt  }
0x3e: {  	_ =	shalt  }
0x3f: {  	_ =	shalt  }
0x40: {  	_ =	shalt  }
0x41: {  	_ =	shalt  }
0x42: {  	_ =	shalt  }
0x43: {  	_ =	shalt  }
0x44: {  	_ =	shalt  }
0x45: {  	_ =	shalt  }
0x46: {  	_ =	shalt  }
0x47: {  	_ =	shalt  }
0x48: {  	_ =	shalt  }
0x49: {  	_ =	shalt  }
0x4a: {  	_ =	shalt  }
0x4b: {  	_ =	shalt  }
0x4c: {  	_ =	shalt  }
0x4d: {  	_ =	shalt  }
0x4e: {  	_ =	shalt  }
0x4f: {  	_ =	shalt  }
0x50: {  	_ =	shalt  }
0x51: {  	_ =	shalt  }
0x52: {  	_ =	shalt  }
0x53: {  	_ =	shalt  }
0x54: {  	_ =	shalt  }
0x55: {  	_ =	shalt  }
0x56: {  	_ =	shalt  }
0x57: {  	_ =	shalt  }
0x58: {  	_ =	shalt  }
0x59: {  	_ =	shalt  }
0x5a: {  	_ =	shalt  }
0x5b: {  	_ =	shalt  }
0x5c: {  	_ =	shalt  }
0x5d: {  	_ =	shalt  }
0x5e: {  	_ =	shalt  }
0x5f: {  	_ =	shalt  }
0x60: {  	_ =	shalt  }
0x61: {  	_ =	shalt  }
0x62: {  	_ =	shalt  }
0x63: {  	_ =	shalt  }
0x64: {  	_ =	shalt  }
0x65: {  	_ =	shalt  }
0x66: {  	_ =	shalt  }
0x67: {  	_ =	shalt  }
0x68: {  	_ =	shalt  }
0x69: {  	_ =	shalt  }
0x6a: {  	_ =	shalt  }
0x6b: {  	_ =	shalt  }
0x6c: {  	_ =	shalt  }
0x6d: {  	_ =	shalt  }
0x6e: {  	_ =	shalt  }
0x6f: {  	_ =	shalt  }
0x70: {  	_ =	shalt  }
0x71: {  	_ =	shalt  }
0x72: {  	_ =	shalt  }
0x73: {  	_ =	shalt  }
0x74: {  	_ =	shalt  }
0x75: {  	_ =	shalt  }
0x76: {  	_ =	shalt  }
0x77: {  	_ =	shalt  }
0x78: {  	_ =	shalt  }
0x79: {  	_ =	shalt  }
0x7a: {  	_ =	shalt  }
0x7b: {  	_ =	shalt  }
0x7c: {  	_ =	shalt  }
0x7d: {  	_ =	shalt  }
0x7e: {  	_ =	shalt  }
0x7f: {  	_ =	shalt  }
0x80: {  	_ =	shalt  }
0x81: {  	_ =	shalt  }
0x82: {  	_ =	shalt  }
0x83: {  	_ =	shalt  }
0x84: {  	_ =	shalt  }
0x85: {  	_ =	shalt  }
0x86: {  	_ =	shalt  }
0x87: {  	_ =	shalt  }
.Lfunc_end0:
.L_simem_size_0:
called_computation_lowered:
.L_overlay_start_0:
0x88: {  	s2 =	sld [smem:$0x3FD9]  }
0x89: {  	s3 =	sld [smem:$0x3FFE];
	_ =	sdelay $0x1  }
0x8a: {  	s1 =	srdreg.scid  }
0x8b: {  	s0 =	sand.u32 $0x1, s1  }
0x8c: {  	s14 =	sshll.u32 s0, $0xA;
	s2 =	sadd.s32 s3, s2  }
0x8d: {  	s2 =	sadd.s32 s2, s14  }
0x8e: {  	[smem:$0x3FC4] =	sst s2  }
0x8f: {  	_ = 	snop  }
0x90: {  	s2 =	sld [smem:$0x3FD0];
	_ =	sdelay $0x2  }
0x91: {  	s15 =	simm.s32 $0xA;
	s4 =	simm.s32 $0x10  }
0x92: {  	[smem:s4], [sflag:s15] =	dma.local [hbm:s2], $0x1  }
0x93: {  	_ =	swait.eq [sflag:s15], $0x1  }
0x94: {  	[sflag:s15] =	ssyncset.done $0x0  }
0x95: {  	s16 =	sld [smem:$0x11];
	[sflag:s15] =	ssyncadd.s32 $0xFFFFFFFF  }
0x96: {  	s17 =	sld [smem:$0x13];
	(tm) =	ssettm $0x1  }
0x97: {  	s18 =	sld [smem:$0x3FFB];
	_ =	sdelay $0x3  }
0x98: {  	_ =	strace s18  }
0x99: {  	s4 =	sld [smem:$0x3FFC];
	_ =	sdelay $0x3  }
0x9a: {  	_ =	strace s4  }
0x9b: {  	s4 =	sld [smem:$0x3FFD];
	_ =	sdelay $0x3  }
0x9c: {  	_ =	strace s4  }
0x9d: {  	_ =	strace $0x8FFFFFFF  }
0x9e: {  	s19 =	sld [smem:$0x3FDB];
	_ =	sdelay $0x1  }
0x9f: {  	s5 =	simm.s32 $_scs_section_size  }
0xa0: {  	s6 =	simm.s32 $_size__tile_overlayer_lowered;
	s7 =	simm.s32 $_tile_overlayer_lowered  }
0xa1: {  	s22 =	simm.s32 $0x1BFF;
	s21 =	sshll.u32 s7, $0x1;
	s4 =	sadd.s32 s5, s19  }
0xa2: {  	s8 =	simm.s32 $0x0;
	s20 =	sshll.u32 s6, $0x1;
	s6 =	sadd.s32 s21, s4  }
0xa3: {  	[timem:s8], [sflag:s22] =	dma.local [hbm:s6], s20  }
0xa4: {  	_ =	swait.ge [sflag:s22], s20  }
0xa5: {  	s5 =	ssub.s32 $0x0, s20;
	[sflag:s22] =	ssyncset.done $0x0  }
0xa6: {  	[sflag:s22] =	ssyncadd.s32 s5;
	_ =	sdelay $0x1  }
0xa7: {  	s23 =	simm.s32 $0x1B8B  }
0xa8: {  	_ =	swait.ge [sflag:s23], $0x1  }
0xa9: {  	[sflag:s23] =	ssyncset.done $0x0  }
0xaa: {  	s25 =	simm.s32 $0x1B8E;
	s24 =	sld [smem:$0x3FFE];
	[sflag:s23] =	ssyncadd.s32 $0xFFFFFFFF  }
0xab: {  	s26 =	simm.s32 $execute0_lowered;
	[smem:$0x3FD2] =	sst s25  }
0xac: {  	s6 =	sshll.u32 s26, $0x1;
	_ =	strace $0x80000046;
	[dreg:$0x1] =	wrdreg $0xFFFFFFFF  }
0xad: {  	s28 =	simm.s32 $_size_execute0_lowered;
	s4 =	sadd.s32 s4, s6;
	[dreg:$0x0] =	wrdreg $0x0  }
0xae: {  	s6 =	sshll.u32 s28, $0x1;
	[dreg:$0x2] =	wrdreg s4  }
0xaf: {  	[dreg:$0x3] =	wrdreg s6  }
0xb0: {  	[dreg:$0x4] =	wrdreg $0xC0  }
0xb1: {  	_ =	task [dreg:s8], $0x5FFFF  }
0xb2: {  	[dreg:$0x1] =	wrdreg $0xFFFFFFFF  }
0xb3: {  	[dreg:$0x0] =	wrdreg $0x60  }
0xb4: {  	[dreg:$0x2] =	wrdreg s24  }
0xb5: {  	[dreg:$0x3] =	wrdreg s17  }
0xb6: {  	[dreg:$0x4] =	wrdreg s16  }
0xb7: {  	[dreg:$0x5] =	wrdreg $0x9  }
0xb8: {  	_ =	task.clear_ibuf [dreg:s8], $0x6FFFF;
	_ =	strace $0x90000046  }
0xb9: {  	s29 =	simm.s32 $0x9;
	_ =	strace $0x80000048  }
0xba: {  	_ =	swait.ge [sflag:s29], $0x1  }
0xbb: {  	[sflag:s29] =	ssyncadd.s32 $0xFFFFFFFF  }
0xbc: {  	_ =	strace $0x90000048  }
0xbd: {  	_ =	sfence  }
0xbe: {  	s30 =	sld [smem:$0x0];
	_ =	sdelay $0x2  }
0xbf: {  	s31 =	sshll.u32 s1, $0xD;
	s1 =	sshrl.u32 s1, $0x2  }
0xc0: {  	s3 =	sand.u32 $0x4000, s31;
	s1 =	sadd.s32 s1, s30  }
0xc1: {  	s0 =	sor.u32 s3, s0;
	s1 =	sshll.u32 s1, $0x11  }
0xc2: {  	s0 =	sor.u32 s1, s0  }
0xc3: {  	s0 =	sadd.s32 $0x8F2B, s0  }
0xc4: {  	[sflag:s0] =	ssyncadd.remote.s32 $0x1  }
0xc5: {  	_ =	sfence.sel $0xFFFF  }
0xc6: {  	[dreg:$0x0] =	wrdreg $0xFFFFFFFF;
	(pc) =	sbr.abs _section_cstart, $3  }
0xc7: {  	[dreg:$0x1] =	wrdreg $0xFFFFFFFF  }
0xc8: {  	_ =	task.clear_ibuf [dreg:s8], $0x2FFFF;
	_ =	strace $0x9FFFFFFF  }
0xc9: {  	(tm) =	ssettm $0x7FFFFFFF  }
tec
execute0_lowered:
.L_overlay_start_1:
0x0: {  	(tag) =	ssettag $0x1  }
0x1: {  	s5 =	rddreg [dreg:$0x0]  }
0x2: {  	s1 =	srdreg.scid;
	s6 =	rddreg [dreg:$0x1]  }
0x3: {  	s0 =	stileid.u32;
	s9 =	rddreg [dreg:$0x2]  }
0x4: {  	s2 =	simm.s32 $0x0;
	s16 =	simm.s32 $0x6C00;
	s17 =	simm.s32 $0x1  }
0x5: {  	s18 =	simm.s32 $0x2;
	s19 =	simm.s32 $0x0;
	s8 =	smul.u32 $0x60000, s0  }
0x6: {  	s4 =	sand.u32 $0x1, s1;
	s26 =	sshll.u32 s0, $0x1;
	s12 =	smul.u32 $0x1800, s0  }
0x7: {  	[smem:$0x7FF] =	sst s2;
	s3 =	sadd.s32 $0xF01200, s5;
	s10 =	smul.u32 $0x30000, s4  }
0x8: {  	s15 =	sadd.s32 $0x1200, s5;
	s1 =	sor.u32 s4, s26;
	s14 =	smul.u32 $0xC00, s4  }
0x9: {  	s11 =	ssub.s32 $0x2, s4;
	s4 =	sadd.s32 $0xC01200, s5;
	s7 =	smul.u32 $0xC00, s1  }
0xa: {  	s1 =	rddreg [dreg:$0x3];
	_ =	strace $0x80000047;
	s13 =	sshrl.u32 s11, $0x1  }
0xb: {  	s11 =	ssub.s32 s11, s13;
	s29 =	sadd.s32 s10, s8;
	s30 =	sadd.s32 s14, s12  }
0xc: {  	s12 =	simm.s32 $0x80;
	s13 =	simm.s32 $0xC00;
	s14 =	simm.s32 $0x2C00  }
0xd: {  	s28 =	sshrl.u32 s7, $0x3;
	s10 =	sshrl.u32 s29, $0x3;
	s8 =	sshll.u32 s30, $0x3  }
0xe: {  	s5 =	sadd.s32 s6, s28;
	s6 =	smax.u32 s11, $0x1;
	s7 =	sadd.s32 s10, s15  }
0xf: {  	s31 =	sor.u32 $0x400, s8;
	s8 =	sadd.s32 s10, s9;
	s11 =	simm.s32 $0x3  }
0x10: {  	s9 =	sadd.s32 s31, s9;
	s10 =	sadd.s32 s31, s15;
	s15 =	simm.s32 $0x4C00  }
.LBB2_1:
0x11: {  	[tilespmem:s2], [sflag:$0x3] =	stream.linear.gather [hbm4b:s5+s2], $0xC00, $0x38;
	[tilespmem:$0x8C00] =	vst v63  }
0x12: {  	_ =	swait.ge [sflag:s11], $0xC00  }
0x13: {  	[sflag:s11] =	ssyncset.done $0x0  }
0x14: {  	[sflag:s11] =	ssyncadd.s32 $0xFFFFF400  }
0x15: {  	[tilespmem:s13], [sflag:$0x1] =	stream.indirect.gather [hbm4b:s3+s12], $0x40, s2, s12, $0xb8;
	[tilespmem:$0x8C00] =	vst v63  }
0x16: {  	_ = 	snop  }
0x17: {  	[tilespmem:s14], [sflag:$0x1] =	stream.indirect.gather [hbm4b:s4+s12], $0x40, s2, s12, $0xb8;
	[tilespmem:$0x8C00] =	vst v63  }
0x18: {  	s20 =	simm.s32 $0x80  }
0x19: {  	[tilespmem:s15], [sflag:$0x2] =	stream.indirect.gather [hbm4b:s3+s12], $0x40, s20, s12, $0xb8;
	[tilespmem:$0x8C00] =	vst v63  }
0x1a: {  	_ = 	snop  }
0x1b: {  	[tilespmem:s16], [sflag:$0x2] =	stream.indirect.gather [hbm4b:s4+s12], $0x40, s20, s12, $0xb8;
	[tilespmem:$0x8C00] =	vst v63  }
0x1c: {  	_ =	swait.ge [sflag:s17], $0x2000  }
0x1d: {  	[sflag:s17] =	ssyncset.done $0x0  }
0x1e: {  	[sflag:s17] =	ssyncadd.s32 $0xFFFFE000  }
0x1f: {  	_ =	swait.ge [sflag:s17], $0x2000  }
0x20: {  	[sflag:s17] =	ssyncset.done $0x0  }
0x21: {  	s28 =	sadd.s32 $0x0, s8;
	[sflag:s17] =	ssyncadd.s32 $0xFFFFE000  }
0x22: {  	[hbm4b:s28+s2] =	stream.linear.scatter [tilespmem:s13], [sflag:$0x3], $0x2000, $0x38;
	[tilespmem:$0x8C00] =	vst v63  }
0x23: {  	_ =	swait.ge [sflag:s11], $0x2000  }
0x24: {  	[sflag:s11] =	ssyncset.done $0x0  }
0x25: {  	s29 =	sadd.s32 $0x0, s7;
	[sflag:s11] =	ssyncadd.s32 $0xFFFFE000  }
0x26: {  	[hbm4b:s29+s2] =	stream.linear.scatter [tilespmem:s14], [sflag:$0x3], $0x2000, $0x38;
	[tilespmem:$0x8C00] =	vst v63  }
0x27: {  	_ =	swait.ge [sflag:s11], $0x2000  }
0x28: {  	[sflag:s11] =	ssyncset.done $0x0  }
0x29: {  	[sflag:s11] =	ssyncadd.s32 $0xFFFFE000  }
0x2a: {  	_ =	swait.ge [sflag:s18], $0x2000  }
0x2b: {  	[sflag:s18] =	ssyncset.done $0x0  }
0x2c: {  	[sflag:s18] =	ssyncadd.s32 $0xFFFFE000  }
0x2d: {  	_ =	swait.ge [sflag:s18], $0x2000  }
0x2e: {  	[sflag:s18] =	ssyncset.done $0x0  }
0x2f: {  	s30 =	sadd.s32 $0x0, s9;
	[sflag:s18] =	ssyncadd.s32 $0xFFFFE000  }
0x30: {  	[hbm4b:s30+s2] =	stream.linear.scatter [tilespmem:s15], [sflag:$0x3], $0x2000, $0x38;
	[tilespmem:$0x8C00] =	vst v63  }
0x31: {  	_ =	swait.ge [sflag:s11], $0x2000  }
0x32: {  	[sflag:s11] =	ssyncset.done $0x0  }
0x33: {  	s31 =	sadd.s32 $0x0, s10;
	[sflag:s11] =	ssyncadd.s32 $0xFFFFE000  }
0x34: {  	[hbm4b:s31+s2] =	stream.linear.scatter [tilespmem:s16], [sflag:$0x3], $0x2000, $0x38;
	[tilespmem:$0x8C00] =	vst v63  }
0x35: {  	_ =	swait.ge [sflag:s11], $0x2000  }
0x36: {  	s21 =	simm.s32 $0x0;
	s20 =	simm.s32 $0x800;
	[sflag:s11] =	ssyncset.done $0x0  }
.LBB2_2:
0x37: {  	p0 =	sne.s32 s20, $0x5800;
	[sflag:s11] =	ssyncadd.s32 $0xFFFFE000;
	s21 =	sadd.s32 $0x100, s21  }
0x38: {  	[tilespmem:s13], [sflag:$0x1] =	stream.indirect.gather [hbm4b:s3+s12], $0x40, s21, s12, $0xb8;
	[tilespmem:$0x8C00] =	vst v63  }
0x39: {  	s22 =	smov.u32 s20;
	s20 =	sadd.s32 $0x800, s20  }
0x3a: {  	[tilespmem:s14], [sflag:$0x1] =	stream.indirect.gather [hbm4b:s4+s12], $0x40, s21, s12, $0xb8;
	[tilespmem:$0x8C00] =	vst v63  }
0x3b: {  	s23 =	sadd.s32 $0x80, s21  }
0x3c: {  	[tilespmem:s15], [sflag:$0x2] =	stream.indirect.gather [hbm4b:s3+s12], $0x40, s23, s12, $0xb8;
	[tilespmem:$0x8C00] =	vst v63  }
0x3d: {  	_ = 	snop  }
0x3e: {  	[tilespmem:s16], [sflag:$0x2] =	stream.indirect.gather [hbm4b:s4+s12], $0x40, s23, s12, $0xb8;
	[tilespmem:$0x8C00] =	vst v63  }
0x3f: {  	_ =	swait.ge [sflag:s17], $0x2000  }
0x40: {  	[sflag:s17] =	ssyncset.done $0x0  }
0x41: {  	[sflag:s17] =	ssyncadd.s32 $0xFFFFE000  }
0x42: {  	_ =	swait.ge [sflag:s17], $0x2000  }
0x43: {  	[sflag:s17] =	ssyncset.done $0x0  }
0x44: {  	s23 =	sadd.s32 s22, s8;
	[sflag:s17] =	ssyncadd.s32 $0xFFFFE000  }
0x45: {  	[hbm4b:s23+s2] =	stream.linear.scatter [tilespmem:s13], [sflag:$0x3], $0x2000, $0x38;
	[tilespmem:$0x8C00] =	vst v63  }
0x46: {  	_ =	swait.ge [sflag:s11], $0x2000  }
0x47: {  	[sflag:s11] =	ssyncset.done $0x0  }
0x48: {  	s23 =	sadd.s32 s22, s7;
	[sflag:s11] =	ssyncadd.s32 $0xFFFFE000  }
0x49: {  	[hbm4b:s23+s2] =	stream.linear.scatter [tilespmem:s14], [sflag:$0x3], $0x2000, $0x38;
	[tilespmem:$0x8C00] =	vst v63  }
0x4a: {  	_ =	swait.ge [sflag:s11], $0x2000  }
0x4b: {  	[sflag:s11] =	ssyncset.done $0x0  }
0x4c: {  	[sflag:s11] =	ssyncadd.s32 $0xFFFFE000  }
0x4d: {  	_ =	swait.ge [sflag:s18], $0x2000  }
0x4e: {  	[sflag:s18] =	ssyncset.done $0x0  }
0x4f: {  	[sflag:s18] =	ssyncadd.s32 $0xFFFFE000  }
0x50: {  	_ =	swait.ge [sflag:s18], $0x2000  }
0x51: {  	[sflag:s18] =	ssyncset.done $0x0  }
0x52: {  	s23 =	sadd.s32 s22, s9;
	[sflag:s18] =	ssyncadd.s32 $0xFFFFE000  }
0x53: {  	[hbm4b:s23+s2] =	stream.linear.scatter [tilespmem:s15], [sflag:$0x3], $0x2000, $0x38;
	[tilespmem:$0x8C00] =	vst v63  }
0x54: {  	_ =	swait.ge [sflag:s11], $0x2000  }
.Ltmp0:
0x55: {  	[sflag:s11] =	ssyncset.done $0x0;
	(pc) =	sbr.rel @p0 .LBB2_2-.Ltmp0, $4  }
0x56: {  	s22 =	sadd.s32 s22, s10;
	[sflag:s11] =	ssyncadd.s32 $0xFFFFE000  }
0x57: {  	[hbm4b:s22+s2] =	stream.linear.scatter [tilespmem:s16], [sflag:$0x3], $0x2000, $0x38;
	[tilespmem:$0x8C00] =	vst v63  }
0x58: {  	_ =	swait.ge [sflag:s11], $0x2000  }
0x59: {  	[sflag:s11] =	ssyncset.done $0x0  }
0x5a: {  	s19 =	sadd.s32 $0x1, s19  }
0x5b: {  	p0 =	sne.s32 s19, s6  }
.Ltmp1:
0x5c: {  	_ = 	snop;
	(pc) =	sbr.rel @p0 .LBB2_1-.Ltmp1, $2  }
0x5d: {  	_ =	sdelay $0x2  }
0x5e: {  	[sflag:s11] =	ssyncadd.s32 $0xFFFFE000  }
0x5f: {  	_ =	sfence.sel $0x180000  }
0x60: {  	[bflag:$0x0] =	sbarrier.arrive $0xFFFF  }
0x61: {  	p0 =	sne.s32 s0, $0x0;
	_ =	strace $0x90000047  }
0x62: {  	s0 =	sadd.s32 @!p0 $0x100000, s1;
	[bflag:$0x2] =	sbarrier.arrive $0xFFFF  }
0x63: {  	[sflag:s0] =	ssyncadd.tile.s32 @!p0 $0x1;
	_ =	shalt  }
.Lfunc_end2:
_tile_overlayer_lowered:
.L_overlay_start_2:
0x64: {  	(tag) =	ssettag $0x2  }
0x65: {  	s0 =	rddreg [dreg:$0x0];
	s2 =	stileid.u32  }
0x66: {  	s1 =	rddreg [dreg:$0x1];
	p0 =	sne.s32 s2, $0x0  }
0x67: {  	s3 =	rddreg [dreg:$0x2];
	[bflag:$0x3] =	sbarrier.arrive $0xFFFF;
	s2 =	simm.s32 @!p0 $0x1C03  }
0x68: {  	[timem:s3], [sflag:s2] =	dma.local @!p0 [hbm:s0], s1  }
0x69: {  	s0 =	simm.s32 @!p0 $0x3  }
0x6a: {  	_ =	swait.ge @!p0 [sflag:s0], s1  }
0x6b: {  	s1 =	ssub.s32 @!p0 $0x0, s1;
	[sflag:s0] =	ssyncset.done @!p0 $0x0  }
0x6c: {  	[sflag:s0] =	ssyncadd.s32 @!p0 s1  }
0x6d: {  	[bflag:$0x3] =	sbarrier.arrive $0xFFFF  }
0x6e: {  	_ =	shalt  }

</sc_bundles>
